<compile_context>
chip_gen: v7x
topology: tpu7x:2x2x1
jax: 0.10.2.dev20260603
libtpu: 0.0.44.dev20260713+nightly
codegen_flags: <defaults>
</compile_context>

<pallas_src>
import jax
import jax.numpy as jnp
from jax import lax
from jax.experimental import pallas as pl
from jax.experimental.pallas import tpu as pltpu
from jax.experimental.pallas import tpu_sc as plsc

N = 10000
NPAD = 10240
E = 320000
D1 = 128
D2 = 64
NC = 2
NS = 16
NT = NC * NS
K = 100
NB = 100
NBUF = 10
DEGW = 8
DEG_DEPTH = 8
RLAG = 1
RPT = NPAD // NS

_sc_mesh = plsc.VectorSubcoreMesh(core_axis_name="c", subcore_axis_name="s")


def _make_agg(D, with_deg=False, per_core_feature_split=False, nbuf=None):
    nb = NB * NC if per_core_feature_split else NB
    nbuf = NBUF if nbuf is None else nbuf

    def body(*args):
        if with_deg:
            (y, row2d, col2d, zeros, ones, zeros8, out, degout,
             ridx, cidx, acc, bufs, onesv, dacc,
             gsems, ssems, dsem) = args
        else:
            (y, row2d, col2d, zeros, out, ridx, cidx, acc, bufs,
             gsems, ssems) = args
        c = lax.axis_index("c")
        s = lax.axis_index("s")
        if per_core_feature_split:
            tid = s
            ysrc = y.at[c]
        else:
            tid = c * NS + s
            ysrc = y

        if per_core_feature_split:
            for h in range(NC):
                pltpu.sync_copy(row2d.at[NC * tid + h],
                                ridx.at[pl.ds(h * NB, NB)])
                pltpu.sync_copy(col2d.at[NC * tid + h],
                                cidx.at[pl.ds(h * NB, NB)])
        else:
            pltpu.sync_copy(row2d.at[tid], ridx)
            pltpu.sync_copy(col2d.at[tid], cidx)
        base = s * RPT
        pltpu.sync_copy(zeros, acc.at[pl.ds(base, RPT)])
        if with_deg:
            pltpu.sync_copy(ones, onesv)
            pltpu.sync_copy(zeros8, dacc.at[pl.ds(base, RPT)])
        plsc.subcore_barrier()

        if with_deg:
            dbase = c * NB

            def degstep(i, carry):
                pltpu.make_async_copy(onesv, dacc.at[cidx.at[dbase + i]],
                                      dsem).start(add=True)

                @pl.when(i >= DEG_DEPTH)
                def _ddrain():
                    pltpu.make_async_copy(
                        onesv, dacc.at[cidx.at[dbase + i - DEG_DEPTH]],
                        dsem).wait()

                return carry

            lax.fori_loop(0, NB, degstep, 0)

            def ddstep(j, carry):
                pltpu.make_async_copy(onesv, dacc.at[cidx.at[dbase + j]],
                                      dsem).wait()
                return carry

            lax.fori_loop(0, DEG_DEPTH, ddstep, 0)

        def pstep(b, carry):
            pltpu.make_async_copy(
                ysrc.at[ridx.at[b]], bufs.at[b], gsems.at[b]).start()
            return carry

        lax.fori_loop(0, nbuf, pstep, 0)

        def step(i, carry):
            @pl.when(i < nb)
            def _work():
                b = lax.rem(i, nbuf)
                pltpu.make_async_copy(ysrc.at[ridx.at[i]], bufs.at[b],
                                      gsems.at[b]).wait()
                pltpu.make_async_copy(bufs.at[b], acc.at[cidx.at[i]],
                                      ssems.at[b]).start(add=True)

            @pl.when(i >= RLAG)
            def _retire():
                pi = i - RLAG
                pb = lax.rem(pi, nbuf)
                pltpu.make_async_copy(bufs.at[pb], acc.at[cidx.at[pi]],
                                      ssems.at[pb]).wait()

                @pl.when(pi + nbuf < nb)
                def _refill():
                    pltpu.make_async_copy(ysrc.at[ridx.at[pi + nbuf]],
                                          bufs.at[pb], gsems.at[pb]).start()

            return carry

        lax.fori_loop(0, nb + RLAG, step, 0)

        plsc.subcore_barrier()
        pltpu.sync_copy(acc.at[pl.ds(base, RPT)],
                        out.at[c].at[pl.ds(base, RPT)])
        if with_deg:
            pltpu.sync_copy(dacc.at[pl.ds(base, RPT)],
                            degout.at[c].at[pl.ds(base, RPT)])

    out_type = [jax.ShapeDtypeStruct((NC, NPAD, D), jnp.float32)]
    scratch = [
        pltpu.VMEM((nb, K), jnp.int32),
        pltpu.VMEM((nb, K), jnp.int32),
        pltpu.VMEM_SHARED((NPAD, D), jnp.float32),
        pltpu.VMEM((nbuf, K, D), jnp.float32),
    ]
    if with_deg:
        out_type.append(jax.ShapeDtypeStruct((NC, NPAD, DEGW), jnp.float32))
        scratch += [
            pltpu.VMEM((K, DEGW), jnp.float32),
            pltpu.VMEM_SHARED((NPAD, DEGW), jnp.float32),
        ]
    scratch += [
        pltpu.SemaphoreType.DMA((nbuf,)),
        pltpu.SemaphoreType.DMA((nbuf,)),
    ]
    if with_deg:
        scratch.append(pltpu.SemaphoreType.DMA)
    return pl.kernel(
        body,
        out_type=out_type if with_deg else out_type[0],
        scratch_types=scratch,
        mesh=_sc_mesh,
        compiler_params=pltpu.CompilerParams(use_tc_tiling_on_sc=False),
    )


def _deg_body(col2d, ones, zeros8, degout, cidx, onesv, dacc, dsem):
    c = lax.axis_index("c")
    s = lax.axis_index("s")
    tid = c * NS + s
    pltpu.sync_copy(col2d.at[tid], cidx)
    pltpu.sync_copy(ones, onesv)
    base = s * RPT
    pltpu.sync_copy(zeros8, dacc.at[pl.ds(base, RPT)])
    plsc.subcore_barrier()

    def step(i, carry):
        pltpu.make_async_copy(onesv, dacc.at[cidx.at[i]],
                              dsem).start(add=True)

        @pl.when(i >= DEG_DEPTH)
        def _drain():
            pltpu.make_async_copy(onesv, dacc.at[cidx.at[i - DEG_DEPTH]],
                                  dsem).wait()

        return carry

    lax.fori_loop(0, NB, step, 0)

    def dstep(j, carry):
        pltpu.make_async_copy(onesv, dacc.at[cidx.at[j]], dsem).wait()
        return carry

    lax.fori_loop(0, DEG_DEPTH, dstep, 0)

    plsc.subcore_barrier()
    pltpu.sync_copy(dacc.at[pl.ds(base, RPT)],
                    degout.at[c].at[pl.ds(base, RPT)])


_deg = pl.kernel(
    _deg_body,
    out_type=jax.ShapeDtypeStruct((NC, NPAD, DEGW), jnp.float32),
    scratch_types=[
        pltpu.VMEM((NB, K), jnp.int32),
        pltpu.VMEM((K, DEGW), jnp.float32),
        pltpu.VMEM_SHARED((NPAD, DEGW), jnp.float32),
        pltpu.SemaphoreType.DMA,
    ],
    mesh=_sc_mesh,
    compiler_params=pltpu.CompilerParams(use_tc_tiling_on_sc=False),
)


_agg64 = _make_agg(D2)
_aggAB = _make_agg(D2, per_core_feature_split=True, nbuf=6)


def _layer_body(p_ref, d_ref, b_ref, w1a_ref, w1b_ref, w2_ref, o_ref):
    d = jnp.maximum(d_ref[0, :, 0:1] + d_ref[1, :, 0:1], 1.0)
    ha = p_ref[0] / d
    hb = p_ref[1] / d
    h = jnp.maximum(
        jnp.dot(ha, w1a_ref[...], preferred_element_type=jnp.float32)
        + jnp.dot(hb, w1b_ref[...], preferred_element_type=jnp.float32)
        + b_ref[...], 0.0)
    o_ref[...] = jnp.dot(h, w2_ref[...], preferred_element_type=jnp.float32)


def _out_body(p_ref, d_ref, b2_ref, w_ref, b3_ref, o_ref):
    p = p_ref[0] + p_ref[1]
    d = jnp.maximum(d_ref[0, :, 0:1] + d_ref[1, :, 0:1], 1.0)
    h = jnp.maximum(p / d + b2_ref[...], 0.0)
    o_ref[...] = (jnp.dot(h, w_ref[...], preferred_element_type=jnp.float32)
                  + b3_ref[...])


def _layer(p1, degp, b1, w1a, w1b, w2):
    blk = NPAD // 10
    return pl.pallas_call(
        _layer_body,
        grid=(10,),
        in_specs=[
            pl.BlockSpec((NC, blk, D2), lambda i: (0, i, 0)),
            pl.BlockSpec((NC, blk, DEGW), lambda i: (0, i, 0)),
            pl.BlockSpec((1, D1), lambda i: (0, 0)),
            pl.BlockSpec((D2, D1), lambda i: (0, 0)),
            pl.BlockSpec((D2, D1), lambda i: (0, 0)),
            pl.BlockSpec((D1, D2), lambda i: (0, 0)),
        ],
        out_specs=pl.BlockSpec((blk, D2), lambda i: (i, 0)),
        out_shape=jax.ShapeDtypeStruct((NPAD, D2), jnp.float32),
    )(p1, degp, b1, w1a, w1b, w2)


def _out_layer(part, degp, b2, w, b3):
    din = part.shape[2]
    dout = w.shape[1]
    blk = N // 10
    return pl.pallas_call(
        _out_body,
        grid=(10,),
        in_specs=[
            pl.BlockSpec((NC, blk, din), lambda i: (0, i, 0)),
            pl.BlockSpec((NC, blk, DEGW), lambda i: (0, i, 0)),
            pl.BlockSpec((1, din), lambda i: (0, 0)),
            pl.BlockSpec((din, dout), lambda i: (0, 0)),
            pl.BlockSpec((1, dout), lambda i: (0, 0)),
        ],
        out_specs=pl.BlockSpec((blk, dout), lambda i: (i, 0)),
        out_shape=jax.ShapeDtypeStruct((N, dout), jnp.float32),
    )(part, degp, b2, w, b3)


def kernel(x, edge_index, n_nodes, W1, b1, W2, b2, W3, b3):
    row2d = edge_index[0].reshape(NT, NB, K)
    col2d = edge_index[1].reshape(NT, NB, K)
    zeros2 = jnp.zeros((RPT, D2), jnp.float32)
    zeros8 = jnp.zeros((RPT, DEGW), jnp.float32)
    ones8 = jnp.ones((K, DEGW), jnp.float32)
    ystack = jnp.stack([x[:, :D2], x[:, D2:]])

    degp = _deg(col2d, ones8, zeros8)
    p1 = _aggAB(ystack, row2d, col2d, zeros2)
    y2 = _layer(p1, degp, b1.reshape(1, D1),
                W1[:D2, :], W1[D2:, :], W2)
    part2 = _agg64(y2, row2d, col2d, zeros2)
    out = _out_layer(part2, degp, b2.reshape(1, D2), W3, b3.reshape(1, D2))
    return out

# --- scband reference (transcript-rebuilt; emitter-appended) ---
"""Pipeline reference for scband-gcn-13305808683527 (READ-ONLY COPY).

The authoritative reference and input builder live on the scoring server;
editing this copy changes nothing except your own understanding.
"""

import jax, jax.numpy as jnp
import numpy as np

N_NODES = 10000
N_EDGES = 320000
D_IN = 128
HIDDEN = 128
HIDDEN2 = 64
N_CLASSES = 64


def setup_inputs(seed: int = 0) -> dict:
    key = jax.random.key(seed)
    ks = jax.random.split(key, 8)
    x = jax.random.normal(ks[0], (N_NODES, D_IN), dtype=jnp.float32)
    edge_index = jax.random.randint(ks[1], (2, N_EDGES), 0, N_NODES, dtype=jnp.int32)
    W1 = jax.random.normal(ks[2], (D_IN, HIDDEN), dtype=jnp.float32) * 0.05
    b1 = jnp.zeros((HIDDEN,), dtype=jnp.float32)
    W2 = jax.random.normal(ks[3], (HIDDEN, HIDDEN2), dtype=jnp.float32) * 0.05
    b2 = jnp.zeros((HIDDEN2,), dtype=jnp.float32)
    W3 = jax.random.normal(ks[4], (HIDDEN2, N_CLASSES), dtype=jnp.float32) * 0.05
    b3 = jnp.zeros((N_CLASSES,), dtype=jnp.float32)
    return {"x": x, "edge_index": edge_index, "n_nodes": N_NODES,
            "W1": W1, "b1": b1, "W2": W2, "b2": b2, "W3": W3, "b3": b3}


def reference(x, edge_index, n_nodes, W1, b1, W2, b2, W3, b3):
    n_static = x.shape[0]
    row = edge_index[0]
    col = edge_index[1]
    deg = jnp.clip(jnp.bincount(col, length=n_static).astype(jnp.float32), 1.0, None)
    deg = deg + jnp.float32(0.0) * jnp.asarray(n_nodes, dtype=jnp.float32)

    def gcn_layer(h, W, b):
        gathered = h[row]  # gather source node features per edge
        agg = jnp.zeros((n_static, h.shape[1]), dtype=h.dtype).at[col].add(gathered)
        return (agg / deg[:, None]) @ W + b

    h = jax.nn.relu(gcn_layer(x, W1, b1))
    # dropout=0.0 -> identity (inference)
    h = jax.nn.relu(gcn_layer(h, W2, b2))
    out = h @ W3 + b3
    return out

if __name__ == "__main__":
    import jax
    _d = setup_inputs()
    print(jax.jit(kernel)(*tuple(_d.values())))

</pallas_src>

<mosaic_0001>
#map = affine_map<(d0, d1) -> (0, 0)>
#map1 = affine_map<(d0, d1) -> (0, 0, 0)>
module attributes {stable_mosaic.version = 14 : i64} {
  func.func @body(%arg0: i32, %arg1: i32, %arg2: memref<10240x64xf32, #tpu.memory_space<hbm>>, %arg3: memref<32x100x100xi32, #tpu.memory_space<hbm>>, %arg4: memref<32x100x100xi32, #tpu.memory_space<hbm>>, %arg5: memref<640x64xf32, #tpu.memory_space<hbm>>, %arg6: memref<2x10240x64xf32, #tpu.memory_space<hbm>>, %arg7: memref<100x100xi32, #tpu.memory_space<vmem>>, %arg8: memref<100x100xi32, #tpu.memory_space<vmem>>, %arg9: memref<10240x64xf32, #tpu.memory_space<vmem_shared>>, %arg10: memref<10x100x64xf32, #tpu.memory_space<vmem>>, %arg11: memref<10x!tpu.dma_semaphore, #tpu.memory_space<semaphore_mem>>, %arg12: memref<10x!tpu.dma_semaphore, #tpu.memory_space<semaphore_mem>>) attributes {dimension_semantics = [#tpu.dimension_semantics<core_parallel>, #tpu.dimension_semantics<subcore_parallel>], iteration_bounds = array<i64: 2, 16>, scalar_prefetch = 0 : i64, scratch_operands = 6 : i64, tpu.core_type = #tpu.core_type<sc_vector_subcore>, window_params = [{transform_indices = #map}, {transform_indices = #map1}, {transform_indices = #map1}, {transform_indices = #map}, {transform_indices = #map1}]} {
    %mul3A = arith.constant 16 : i32
    %mul3A_0 = arith.muli %arg0, %mul3A : i32
    %add3A = arith.addi %mul3A_0, %arg1 : i32
    "tpu.region"() ({
      %run_scoped3A = tpu.sem_alloc : memref<!tpu.dma_semaphore, #tpu.memory_space<semaphore_mem>>
      %dma_start3A = arith.constant 0 : i32
      %dma_start3A_15 = arith.constant 0 : i32
      %dma_start3A_16 = tpu.memref_slice %arg3[%add3A, %dma_start3A, %dma_start3A_15] : memref<32x100x100xi32, #tpu.memory_space<hbm>> -> memref<1x100x100xi32, #tpu.memory_space<hbm>>
      %dma_start3A_17 = tpu.memref_squeeze %dma_start3A_16 : memref<1x100x100xi32, #tpu.memory_space<hbm>> -> memref<100x100xi32, #tpu.memory_space<hbm>>
      %dma_start3A_18 = arith.constant 0 : i32
      %dma_start3A_19 = arith.constant 0 : i32
      %dma_start3A_20 = tpu.memref_slice %arg3[%add3A, %dma_start3A_18, %dma_start3A_19] : memref<32x100x100xi32, #tpu.memory_space<hbm>> -> memref<1x100x100xi32, #tpu.memory_space<hbm>>
      %dma_start3A_21 = tpu.memref_squeeze %dma_start3A_20 : memref<1x100x100xi32, #tpu.memory_space<hbm>> -> memref<100x100xi32, #tpu.memory_space<hbm>>
      tpu.enqueue_dma source(%dma_start3A_21 : memref<100x100xi32, #tpu.memory_space<hbm>>) target(%arg7 : memref<100x100xi32, #tpu.memory_space<vmem>>) target_semaphore(%run_scoped3A : memref<!tpu.dma_semaphore, #tpu.memory_space<semaphore_mem>>)
      %dma_wait3A = arith.constant 0 : i32
      %dma_wait3A_22 = arith.constant 0 : i32
      %dma_wait3A_23 = tpu.memref_slice %arg3[%add3A, %dma_wait3A, %dma_wait3A_22] : memref<32x100x100xi32, #tpu.memory_space<hbm>> -> memref<1x100x100xi32, #tpu.memory_space<hbm>>
      %dma_wait3A_24 = tpu.memref_squeeze %dma_wait3A_23 : memref<1x100x100xi32, #tpu.memory_space<hbm>> -> memref<100x100xi32, #tpu.memory_space<hbm>>
      %dma_wait3A_25 = arith.constant 0 : i32
      %dma_wait3A_26 = arith.constant 0 : i32
      %dma_wait3A_27 = tpu.memref_slice %arg3[%add3A, %dma_wait3A_25, %dma_wait3A_26] : memref<32x100x100xi32, #tpu.memory_space<hbm>> -> memref<1x100x100xi32, #tpu.memory_space<hbm>>
      %dma_wait3A_28 = tpu.memref_squeeze %dma_wait3A_27 : memref<1x100x100xi32, #tpu.memory_space<hbm>> -> memref<100x100xi32, #tpu.memory_space<hbm>>
      tpu.wait_dma2 semaphore(%run_scoped3A : memref<!tpu.dma_semaphore, #tpu.memory_space<semaphore_mem>>) src(%dma_wait3A_28 : memref<100x100xi32, #tpu.memory_space<hbm>>) dst(%arg7 : memref<100x100xi32, #tpu.memory_space<vmem>>)
      tpu.yield
    }) : () -> ()
    "tpu.region"() ({
      %run_scoped3A = tpu.sem_alloc : memref<!tpu.dma_semaphore, #tpu.memory_space<semaphore_mem>>
      %dma_start3A = arith.constant 0 : i32
      %dma_start3A_15 = arith.constant 0 : i32
      %dma_start3A_16 = tpu.memref_slice %arg4[%add3A, %dma_start3A, %dma_start3A_15] : memref<32x100x100xi32, #tpu.memory_space<hbm>> -> memref<1x100x100xi32, #tpu.memory_space<hbm>>
      %dma_start3A_17 = tpu.memref_squeeze %dma_start3A_16 : memref<1x100x100xi32, #tpu.memory_space<hbm>> -> memref<100x100xi32, #tpu.memory_space<hbm>>
      %dma_start3A_18 = arith.constant 0 : i32
      %dma_start3A_19 = arith.constant 0 : i32
      %dma_start3A_20 = tpu.memref_slice %arg4[%add3A, %dma_start3A_18, %dma_start3A_19] : memref<32x100x100xi32, #tpu.memory_space<hbm>> -> memref<1x100x100xi32, #tpu.memory_space<hbm>>
      %dma_start3A_21 = tpu.memref_squeeze %dma_start3A_20 : memref<1x100x100xi32, #tpu.memory_space<hbm>> -> memref<100x100xi32, #tpu.memory_space<hbm>>
      tpu.enqueue_dma source(%dma_start3A_21 : memref<100x100xi32, #tpu.memory_space<hbm>>) target(%arg8 : memref<100x100xi32, #tpu.memory_space<vmem>>) target_semaphore(%run_scoped3A : memref<!tpu.dma_semaphore, #tpu.memory_space<semaphore_mem>>)
      %dma_wait3A = arith.constant 0 : i32
      %dma_wait3A_22 = arith.constant 0 : i32
      %dma_wait3A_23 = tpu.memref_slice %arg4[%add3A, %dma_wait3A, %dma_wait3A_22] : memref<32x100x100xi32, #tpu.memory_space<hbm>> -> memref<1x100x100xi32, #tpu.memory_space<hbm>>
      %dma_wait3A_24 = tpu.memref_squeeze %dma_wait3A_23 : memref<1x100x100xi32, #tpu.memory_space<hbm>> -> memref<100x100xi32, #tpu.memory_space<hbm>>
      %dma_wait3A_25 = arith.constant 0 : i32
      %dma_wait3A_26 = arith.constant 0 : i32
      %dma_wait3A_27 = tpu.memref_slice %arg4[%add3A, %dma_wait3A_25, %dma_wait3A_26] : memref<32x100x100xi32, #tpu.memory_space<hbm>> -> memref<1x100x100xi32, #tpu.memory_space<hbm>>
      %dma_wait3A_28 = tpu.memref_squeeze %dma_wait3A_27 : memref<1x100x100xi32, #tpu.memory_space<hbm>> -> memref<100x100xi32, #tpu.memory_space<hbm>>
      tpu.wait_dma2 semaphore(%run_scoped3A : memref<!tpu.dma_semaphore, #tpu.memory_space<semaphore_mem>>) src(%dma_wait3A_28 : memref<100x100xi32, #tpu.memory_space<hbm>>) dst(%arg8 : memref<100x100xi32, #tpu.memory_space<vmem>>)
      tpu.yield
    }) : () -> ()
    %mul3A_1 = arith.constant 640 : i32
    %mul3A_2 = arith.muli %arg1, %mul3A_1 : i32
    "tpu.region"() ({
      %run_scoped3A = tpu.sem_alloc : memref<!tpu.dma_semaphore, #tpu.memory_space<semaphore_mem>>
      %dma_start3A = arith.constant 0 : i32
      %dma_start3A_15 = tpu.memref_slice %arg9[%mul3A_2, %dma_start3A] : memref<10240x64xf32, #tpu.memory_space<vmem_shared>> -> memref<640x64xf32, #tpu.memory_space<vmem_shared>>
      tpu.enqueue_dma source(%arg5 : memref<640x64xf32, #tpu.memory_space<hbm>>) target(%dma_start3A_15 : memref<640x64xf32, #tpu.memory_space<vmem_shared>>) target_semaphore(%run_scoped3A : memref<!tpu.dma_semaphore, #tpu.memory_space<semaphore_mem>>)
      %dma_wait3A = arith.constant 0 : i32
      %dma_wait3A_16 = tpu.memref_slice %arg9[%mul3A_2, %dma_wait3A] : memref<10240x64xf32, #tpu.memory_space<vmem_shared>> -> memref<640x64xf32, #tpu.memory_space<vmem_shared>>
      tpu.wait_dma2 semaphore(%run_scoped3A : memref<!tpu.dma_semaphore, #tpu.memory_space<semaphore_mem>>) src(%arg5 : memref<640x64xf32, #tpu.memory_space<hbm>>) dst(%dma_wait3A_16 : memref<640x64xf32, #tpu.memory_space<vmem_shared>>)
      tpu.yield
    }) : () -> ()
    %barrier3A = arith.constant 0 : index
    tpu.barrier barrier_id(%barrier3A)
    %scan3A = arith.constant 0 : i32
    %scan3A_3 = arith.constant 0 : i32
    %scan3A_4 = arith.constant 10 : i32
    %scan3A_5 = arith.addi %scan3A_3, %scan3A_4 : i32
    %scan3A_6 = arith.constant 1 : i32
    scf.for %scan3A_15 = %scan3A_3 to %scan3A_5 step %scan3A_6  : i32 {
      %dma_start3A = arith.constant 0 : i32
      %dma_start3A_16 = arith.constant 0 : i32
      %dma_start3A_17 = tpu.memref_slice %arg10[%scan3A_15, %dma_start3A, %dma_start3A_16] : memref<10x100x64xf32, #tpu.memory_space<vmem>> -> memref<1x100x64xf32, #tpu.memory_space<vmem>>
      %dma_start3A_18 = tpu.memref_squeeze %dma_start3A_17 : memref<1x100x64xf32, #tpu.memory_space<vmem>> -> memref<100x64xf32, #tpu.memory_space<vmem>>
      %dma_start3A_19 = arith.constant 0 : i32
      %dma_start3A_20 = tpu.memref_slice %arg7[%scan3A_15, %dma_start3A_19] : memref<100x100xi32, #tpu.memory_space<vmem>> -> memref<1x100xi32, #tpu.memory_space<vmem>>
      %dma_start3A_21 = tpu.memref_squeeze %dma_start3A_20 : memref<1x100xi32, #tpu.memory_space<vmem>> -> memref<100xi32, #tpu.memory_space<vmem>>
      %dma_start3A_22 = arith.constant 0 : i32
      %dma_start3A_23 = arith.constant 0 : i32
      %dma_start3A_24 = tpu.memref_slice %arg2[%dma_start3A_22, %dma_start3A_23] : memref<10240x64xf32, #tpu.memory_space<hbm>> -> memref<10240x64xf32, #tpu.memory_space<hbm>>
      %dma_start3A_25 = tpu.memref_slice %arg11[%scan3A_15] : memref<10x!tpu.dma_semaphore, #tpu.memory_space<semaphore_mem>> -> memref<1x!tpu.dma_semaphore, #tpu.memory_space<semaphore_mem>>
      %dma_start3A_26 = tpu.memref_squeeze %dma_start3A_25 : memref<1x!tpu.dma_semaphore, #tpu.memory_space<semaphore_mem>> -> memref<!tpu.dma_semaphore, #tpu.memory_space<semaphore_mem>>
      tpu.enqueue_indirect_dma source(%dma_start3A_24 : memref<10240x64xf32, #tpu.memory_space<hbm>>) target(%dma_start3A_18 : memref<100x64xf32, #tpu.memory_space<vmem>>) offsets(%dma_start3A_21 : memref<100xi32, #tpu.memory_space<vmem>>) semaphore(%dma_start3A_26 : memref<!tpu.dma_semaphore, #tpu.memory_space<semaphore_mem>>)
    }
    %scan3A_7 = arith.constant 10 : i32
    %scan3A_8 = arith.constant 0 : i32
    %scan3A_9 = arith.constant 0 : i32
    %scan3A_10 = arith.constant 101 : i32
    %scan3A_11 = arith.addi %scan3A_9, %scan3A_10 : i32
    %scan3A_12 = arith.constant 1 : i32
    scf.for %scan3A_15 = %scan3A_9 to %scan3A_11 step %scan3A_12  : i32 {
      %lt3A = arith.constant 100 : i32
      %lt3A_16 = arith.cmpi slt, %scan3A_15, %lt3A : i32
      %convert_element_type3A = arith.extui %lt3A_16 : i1 to i32
      %cond3A = arith.constant 0 : i32
      %cond3A_17 = arith.cmpi ne, %convert_element_type3A, %cond3A : i32
      scf.if %cond3A_17 {
        %rem3A = arith.constant 10 : i32
        %rem3A_22 = arith.remsi %scan3A_15, %rem3A : i32
        %dma_wait3A = arith.constant 0 : i32
        %dma_wait3A_23 = arith.constant 0 : i32
        %dma_wait3A_24 = tpu.memref_slice %arg10[%rem3A_22, %dma_wait3A, %dma_wait3A_23] : memref<10x100x64xf32, #tpu.memory_space<vmem>> -> memref<1x100x64xf32, #tpu.memory_space<vmem>>
        %dma_wait3A_25 = tpu.memref_squeeze %dma_wait3A_24 : memref<1x100x64xf32, #tpu.memory_space<vmem>> -> memref<100x64xf32, #tpu.memory_space<vmem>>
        %dma_wait3A_26 = arith.constant 0 : i32
        %dma_wait3A_27 = tpu.memref_slice %arg7[%scan3A_15, %dma_wait3A_26] : memref<100x100xi32, #tpu.memory_space<vmem>> -> memref<1x100xi32, #tpu.memory_space<vmem>>
        %dma_wait3A_28 = tpu.memref_squeeze %dma_wait3A_27 : memref<1x100xi32, #tpu.memory_space<vmem>> -> memref<100xi32, #tpu.memory_space<vmem>>
        %dma_wait3A_29 = arith.constant 0 : i32
        %dma_wait3A_30 = arith.constant 0 : i32
        %dma_wait3A_31 = tpu.memref_slice %arg2[%dma_wait3A_29, %dma_wait3A_30] : memref<10240x64xf32, #tpu.memory_space<hbm>> -> memref<10240x64xf32, #tpu.memory_space<hbm>>
        %dma_wait3A_32 = tpu.memref_slice %arg11[%rem3A_22] : memref<10x!tpu.dma_semaphore, #tpu.memory_space<semaphore_mem>> -> memref<1x!tpu.dma_semaphore, #tpu.memory_space<semaphore_mem>>
        %dma_wait3A_33 = tpu.memref_squeeze %dma_wait3A_32 : memref<1x!tpu.dma_semaphore, #tpu.memory_space<semaphore_mem>> -> memref<!tpu.dma_semaphore, #tpu.memory_space<semaphore_mem>>
        tpu.wait_indirect_dma semaphore(%dma_wait3A_33 : memref<!tpu.dma_semaphore, #tpu.memory_space<semaphore_mem>>) src(%dma_wait3A_31 : memref<10240x64xf32, #tpu.memory_space<hbm>>) dst(%dma_wait3A_25 : memref<100x64xf32, #tpu.memory_space<vmem>>)
        %dma_start3A = arith.constant 0 : i32
        %dma_start3A_34 = arith.constant 0 : i32
        %dma_start3A_35 = tpu.memref_slice %arg10[%rem3A_22, %dma_start3A, %dma_start3A_34] : memref<10x100x64xf32, #tpu.memory_space<vmem>> -> memref<1x100x64xf32, #tpu.memory_space<vmem>>
        %dma_start3A_36 = tpu.memref_squeeze %dma_start3A_35 : memref<1x100x64xf32, #tpu.memory_space<vmem>> -> memref<100x64xf32, #tpu.memory_space<vmem>>
        %dma_start3A_37 = arith.constant 0 : i32
        %dma_start3A_38 = tpu.memref_slice %arg8[%scan3A_15, %dma_start3A_37] : memref<100x100xi32, #tpu.memory_space<vmem>> -> memref<1x100xi32, #tpu.memory_space<vmem>>
        %dma_start3A_39 = tpu.memref_squeeze %dma_start3A_38 : memref<1x100xi32, #tpu.memory_space<vmem>> -> memref<100xi32, #tpu.memory_space<vmem>>
        %dma_start3A_40 = arith.constant 0 : i32
        %dma_start3A_41 = arith.constant 0 : i32
        %dma_start3A_42 = tpu.memref_slice %arg9[%dma_start3A_40, %dma_start3A_41] : memref<10240x64xf32, #tpu.memory_space<vmem_shared>> -> memref<10240x64xf32, #tpu.memory_space<vmem_shared>>
        %dma_start3A_43 = tpu.memref_slice %arg12[%rem3A_22] : memref<10x!tpu.dma_semaphore, #tpu.memory_space<semaphore_mem>> -> memref<1x!tpu.dma_semaphore, #tpu.memory_space<semaphore_mem>>
        %dma_start3A_44 = tpu.memref_squeeze %dma_start3A_43 : memref<1x!tpu.dma_semaphore, #tpu.memory_space<semaphore_mem>> -> memref<!tpu.dma_semaphore, #tpu.memory_space<semaphore_mem>>
        tpu.enqueue_indirect_dma source(%dma_start3A_36 : memref<100x64xf32, #tpu.memory_space<vmem>>) target(%dma_start3A_42 : memref<10240x64xf32, #tpu.memory_space<vmem_shared>>) offsets(%dma_start3A_39 : memref<100xi32, #tpu.memory_space<vmem>>) semaphore(%dma_start3A_44 : memref<!tpu.dma_semaphore, #tpu.memory_space<semaphore_mem>>) {add = true}
      } else {
      }
      %ge3A = arith.constant 1 : i32
      %ge3A_18 = arith.cmpi sge, %scan3A_15, %ge3A : i32
      %convert_element_type3A_19 = arith.extui %ge3A_18 : i1 to i32
      %cond3A_20 = arith.constant 0 : i32
      %cond3A_21 = arith.cmpi ne, %convert_element_type3A_19, %cond3A_20 : i32
      scf.if %cond3A_21 {
        %sub3A = arith.constant 1 : i32
        %sub3A_22 = arith.subi %scan3A_15, %sub3A : i32
        %rem3A = arith.constant 10 : i32
        %rem3A_23 = arith.remsi %sub3A_22, %rem3A : i32
        %dma_wait3A = arith.constant 0 : i32
        %dma_wait3A_24 = arith.constant 0 : i32
        %dma_wait3A_25 = tpu.memref_slice %arg10[%rem3A_23, %dma_wait3A, %dma_wait3A_24] : memref<10x100x64xf32, #tpu.memory_space<vmem>> -> memref<1x100x64xf32, #tpu.memory_space<vmem>>
        %dma_wait3A_26 = tpu.memref_squeeze %dma_wait3A_25 : memref<1x100x64xf32, #tpu.memory_space<vmem>> -> memref<100x64xf32, #tpu.memory_space<vmem>>
        %dma_wait3A_27 = arith.constant 0 : i32
        %dma_wait3A_28 = tpu.memref_slice %arg8[%sub3A_22, %dma_wait3A_27] : memref<100x100xi32, #tpu.memory_space<vmem>> -> memref<1x100xi32, #tpu.memory_space<vmem>>
        %dma_wait3A_29 = tpu.memref_squeeze %dma_wait3A_28 : memref<1x100xi32, #tpu.memory_space<vmem>> -> memref<100xi32, #tpu.memory_space<vmem>>
        %dma_wait3A_30 = arith.constant 0 : i32
        %dma_wait3A_31 = arith.constant 0 : i32
        %dma_wait3A_32 = tpu.memref_slice %arg9[%dma_wait3A_30, %dma_wait3A_31] : memref<10240x64xf32, #tpu.memory_space<vmem_shared>> -> memref<10240x64xf32, #tpu.memory_space<vmem_shared>>
        %dma_wait3A_33 = tpu.memref_slice %arg12[%rem3A_23] : memref<10x!tpu.dma_semaphore, #tpu.memory_space<semaphore_mem>> -> memref<1x!tpu.dma_semaphore, #tpu.memory_space<semaphore_mem>>
        %dma_wait3A_34 = tpu.memref_squeeze %dma_wait3A_33 : memref<1x!tpu.dma_semaphore, #tpu.memory_space<semaphore_mem>> -> memref<!tpu.dma_semaphore, #tpu.memory_space<semaphore_mem>>
        tpu.wait_indirect_dma semaphore(%dma_wait3A_34 : memref<!tpu.dma_semaphore, #tpu.memory_space<semaphore_mem>>) src(%dma_wait3A_26 : memref<100x64xf32, #tpu.memory_space<vmem>>) dst(%dma_wait3A_32 : memref<10240x64xf32, #tpu.memory_space<vmem_shared>>)
        %add3A_35 = arith.constant 10 : i32
        %add3A_36 = arith.addi %sub3A_22, %add3A_35 : i32
        %lt3A_37 = arith.constant 100 : i32
        %lt3A_38 = arith.cmpi slt, %add3A_36, %lt3A_37 : i32
        %convert_element_type3A_39 = arith.extui %lt3A_38 : i1 to i32
        %cond3A_40 = arith.constant 0 : i32
        %cond3A_41 = arith.cmpi ne, %convert_element_type3A_39, %cond3A_40 : i32
        scf.if %cond3A_41 {
          %add3A_42 = arith.constant 10 : i32
          %add3A_43 = arith.addi %sub3A_22, %add3A_42 : i32
          %dma_start3A = arith.constant 0 : i32
          %dma_start3A_44 = arith.constant 0 : i32
          %dma_start3A_45 = tpu.memref_slice %arg10[%rem3A_23, %dma_start3A, %dma_start3A_44] : memref<10x100x64xf32, #tpu.memory_space<vmem>> -> memref<1x100x64xf32, #tpu.memory_space<vmem>>
          %dma_start3A_46 = tpu.memref_squeeze %dma_start3A_45 : memref<1x100x64xf32, #tpu.memory_space<vmem>> -> memref<100x64xf32, #tpu.memory_space<vmem>>
          %dma_start3A_47 = arith.constant 0 : i32
          %dma_start3A_48 = tpu.memref_slice %arg7[%add3A_43, %dma_start3A_47] : memref<100x100xi32, #tpu.memory_space<vmem>> -> memref<1x100xi32, #tpu.memory_space<vmem>>
          %dma_start3A_49 = tpu.memref_squeeze %dma_start3A_48 : memref<1x100xi32, #tpu.memory_space<vmem>> -> memref<100xi32, #tpu.memory_space<vmem>>
          %dma_start3A_50 = arith.constant 0 : i32
          %dma_start3A_51 = arith.constant 0 : i32
          %dma_start3A_52 = tpu.memref_slice %arg2[%dma_start3A_50, %dma_start3A_51] : memref<10240x64xf32, #tpu.memory_space<hbm>> -> memref<10240x64xf32, #tpu.memory_space<hbm>>
          %dma_start3A_53 = tpu.memref_slice %arg11[%rem3A_23] : memref<10x!tpu.dma_semaphore, #tpu.memory_space<semaphore_mem>> -> memref<1x!tpu.dma_semaphore, #tpu.memory_space<semaphore_mem>>
          %dma_start3A_54 = tpu.memref_squeeze %dma_start3A_53 : memref<1x!tpu.dma_semaphore, #tpu.memory_space<semaphore_mem>> -> memref<!tpu.dma_semaphore, #tpu.memory_space<semaphore_mem>>
          tpu.enqueue_indirect_dma source(%dma_start3A_52 : memref<10240x64xf32, #tpu.memory_space<hbm>>) target(%dma_start3A_46 : memref<100x64xf32, #tpu.memory_space<vmem>>) offsets(%dma_start3A_49 : memref<100xi32, #tpu.memory_space<vmem>>) semaphore(%dma_start3A_54 : memref<!tpu.dma_semaphore, #tpu.memory_space<semaphore_mem>>)
        } else {
        }
      } else {
      }
    }
    %scan3A_13 = arith.constant 101 : i32
    %barrier3A_14 = arith.constant 0 : index
    tpu.barrier barrier_id(%barrier3A_14)
    "tpu.region"() ({
      %run_scoped3A = tpu.sem_alloc : memref<!tpu.dma_semaphore, #tpu.memory_space<semaphore_mem>>
      %dma_start3A = arith.constant 0 : i32
      %dma_start3A_15 = arith.constant 0 : i32
      %dma_start3A_16 = tpu.memref_slice %arg6[%arg0, %dma_start3A, %dma_start3A_15] : memref<2x10240x64xf32, #tpu.memory_space<hbm>> -> memref<1x10240x64xf32, #tpu.memory_space<hbm>>
      %dma_start3A_17 = tpu.memref_squeeze %dma_start3A_16 : memref<1x10240x64xf32, #tpu.memory_space<hbm>> -> memref<10240x64xf32, #tpu.memory_space<hbm>>
      %dma_start3A_18 = arith.constant 0 : i32
      %dma_start3A_19 = tpu.memref_slice %dma_start3A_17[%mul3A_2, %dma_start3A_18] : memref<10240x64xf32, #tpu.memory_space<hbm>> -> memref<640x64xf32, #tpu.memory_space<hbm>>
      %dma_start3A_20 = arith.constant 0 : i32
      %dma_start3A_21 = tpu.memref_slice %arg9[%mul3A_2, %dma_start3A_20] : memref<10240x64xf32, #tpu.memory_space<vmem_shared>> -> memref<640x64xf32, #tpu.memory_space<vmem_shared>>
      tpu.enqueue_dma source(%dma_start3A_21 : memref<640x64xf32, #tpu.memory_space<vmem_shared>>) target(%dma_start3A_19 : memref<640x64xf32, #tpu.memory_space<hbm>>) target_semaphore(%run_scoped3A : memref<!tpu.dma_semaphore, #tpu.memory_space<semaphore_mem>>)
      %dma_wait3A = arith.constant 0 : i32
      %dma_wait3A_22 = arith.constant 0 : i32
      %dma_wait3A_23 = tpu.memref_slice %arg6[%arg0, %dma_wait3A, %dma_wait3A_22] : memref<2x10240x64xf32, #tpu.memory_space<hbm>> -> memref<1x10240x64xf32, #tpu.memory_space<hbm>>
      %dma_wait3A_24 = tpu.memref_squeeze %dma_wait3A_23 : memref<1x10240x64xf32, #tpu.memory_space<hbm>> -> memref<10240x64xf32, #tpu.memory_space<hbm>>
      %dma_wait3A_25 = arith.constant 0 : i32
      %dma_wait3A_26 = tpu.memref_slice %dma_wait3A_24[%mul3A_2, %dma_wait3A_25] : memref<10240x64xf32, #tpu.memory_space<hbm>> -> memref<640x64xf32, #tpu.memory_space<hbm>>
      %dma_wait3A_27 = arith.constant 0 : i32
      %dma_wait3A_28 = tpu.memref_slice %arg9[%mul3A_2, %dma_wait3A_27] : memref<10240x64xf32, #tpu.memory_space<vmem_shared>> -> memref<640x64xf32, #tpu.memory_space<vmem_shared>>
      tpu.wait_dma2 semaphore(%run_scoped3A : memref<!tpu.dma_semaphore, #tpu.memory_space<semaphore_mem>>) src(%dma_wait3A_28 : memref<640x64xf32, #tpu.memory_space<vmem_shared>>) dst(%dma_wait3A_26 : memref<640x64xf32, #tpu.memory_space<hbm>>)
      tpu.yield
    }) : () -> ()
    return
  }
}

#map = affine_map<(d0, d1) -> (0, 0, 0)>
#map1 = affine_map<(d0, d1) -> (0, 0)>
module attributes {stable_mosaic.version = 14 : i64} {
  func.func @_deg_body(%arg0: i32, %arg1: i32, %arg2: memref<32x100x100xi32, #tpu.memory_space<hbm>>, %arg3: memref<100x8xf32, #tpu.memory_space<hbm>>, %arg4: memref<640x8xf32, #tpu.memory_space<hbm>>, %arg5: memref<2x10240x8xf32, #tpu.memory_space<hbm>>, %arg6: memref<100x100xi32, #tpu.memory_space<vmem>>, %arg7: memref<100x8xf32, #tpu.memory_space<vmem>>, %arg8: memref<10240x8xf32, #tpu.memory_space<vmem_shared>>, %arg9: memref<!tpu.dma_semaphore, #tpu.memory_space<semaphore_mem>>) attributes {dimension_semantics = [#tpu.dimension_semantics<core_parallel>, #tpu.dimension_semantics<subcore_parallel>], iteration_bounds = array<i64: 2, 16>, scalar_prefetch = 0 : i64, scratch_operands = 4 : i64, tpu.core_type = #tpu.core_type<sc_vector_subcore>, window_params = [{transform_indices = #map}, {transform_indices = #map1}, {transform_indices = #map1}, {transform_indices = #map}]} {
    %mul3A = arith.constant 16 : i32
    %mul3A_0 = arith.muli %arg0, %mul3A : i32
    %add3A = arith.addi %mul3A_0, %arg1 : i32
    "tpu.region"() ({
      %run_scoped3A = tpu.sem_alloc : memref<!tpu.dma_semaphore, #tpu.memory_space<semaphore_mem>>
      %dma_start3A = arith.constant 0 : i32
      %dma_start3A_15 = arith.constant 0 : i32
      %dma_start3A_16 = tpu.memref_slice %arg2[%add3A, %dma_start3A, %dma_start3A_15] : memref<32x100x100xi32, #tpu.memory_space<hbm>> -> memref<1x100x100xi32, #tpu.memory_space<hbm>>
      %dma_start3A_17 = tpu.memref_squeeze %dma_start3A_16 : memref<1x100x100xi32, #tpu.memory_space<hbm>> -> memref<100x100xi32, #tpu.memory_space<hbm>>
      %dma_start3A_18 = arith.constant 0 : i32
      %dma_start3A_19 = arith.constant 0 : i32
      %dma_start3A_20 = tpu.memref_slice %arg2[%add3A, %dma_start3A_18, %dma_start3A_19] : memref<32x100x100xi32, #tpu.memory_space<hbm>> -> memref<1x100x100xi32, #tpu.memory_space<hbm>>
      %dma_start3A_21 = tpu.memref_squeeze %dma_start3A_20 : memref<1x100x100xi32, #tpu.memory_space<hbm>> -> memref<100x100xi32, #tpu.memory_space<hbm>>
      tpu.enqueue_dma source(%dma_start3A_21 : memref<100x100xi32, #tpu.memory_space<hbm>>) target(%arg6 : memref<100x100xi32, #tpu.memory_space<vmem>>) target_semaphore(%run_scoped3A : memref<!tpu.dma_semaphore, #tpu.memory_space<semaphore_mem>>)
      %dma_wait3A = arith.constant 0 : i32
      %dma_wait3A_22 = arith.constant 0 : i32
      %dma_wait3A_23 = tpu.memref_slice %arg2[%add3A, %dma_wait3A, %dma_wait3A_22] : memref<32x100x100xi32, #tpu.memory_space<hbm>> -> memref<1x100x100xi32, #tpu.memory_space<hbm>>
      %dma_wait3A_24 = tpu.memref_squeeze %dma_wait3A_23 : memref<1x100x100xi32, #tpu.memory_space<hbm>> -> memref<100x100xi32, #tpu.memory_space<hbm>>
      %dma_wait3A_25 = arith.constant 0 : i32
      %dma_wait3A_26 = arith.constant 0 : i32
      %dma_wait3A_27 = tpu.memref_slice %arg2[%add3A, %dma_wait3A_25, %dma_wait3A_26] : memref<32x100x100xi32, #tpu.memory_space<hbm>> -> memref<1x100x100xi32, #tpu.memory_space<hbm>>
      %dma_wait3A_28 = tpu.memref_squeeze %dma_wait3A_27 : memref<1x100x100xi32, #tpu.memory_space<hbm>> -> memref<100x100xi32, #tpu.memory_space<hbm>>
      tpu.wait_dma2 semaphore(%run_scoped3A : memref<!tpu.dma_semaphore, #tpu.memory_space<semaphore_mem>>) src(%dma_wait3A_28 : memref<100x100xi32, #tpu.memory_space<hbm>>) dst(%arg6 : memref<100x100xi32, #tpu.memory_space<vmem>>)
      tpu.yield
    }) : () -> ()
    "tpu.region"() ({
      %run_scoped3A = tpu.sem_alloc : memref<!tpu.dma_semaphore, #tpu.memory_space<semaphore_mem>>
      tpu.enqueue_dma source(%arg3 : memref<100x8xf32, #tpu.memory_space<hbm>>) target(%arg7 : memref<100x8xf32, #tpu.memory_space<vmem>>) target_semaphore(%run_scoped3A : memref<!tpu.dma_semaphore, #tpu.memory_space<semaphore_mem>>)
      tpu.wait_dma2 semaphore(%run_scoped3A : memref<!tpu.dma_semaphore, #tpu.memory_space<semaphore_mem>>) src(%arg3 : memref<100x8xf32, #tpu.memory_space<hbm>>) dst(%arg7 : memref<100x8xf32, #tpu.memory_space<vmem>>)
      tpu.yield
    }) : () -> ()
    %mul3A_1 = arith.constant 640 : i32
    %mul3A_2 = arith.muli %arg1, %mul3A_1 : i32
    "tpu.region"() ({
      %run_scoped3A = tpu.sem_alloc : memref<!tpu.dma_semaphore, #tpu.memory_space<semaphore_mem>>
      %dma_start3A = arith.constant 0 : i32
      %dma_start3A_15 = tpu.memref_slice %arg8[%mul3A_2, %dma_start3A] : memref<10240x8xf32, #tpu.memory_space<vmem_shared>> -> memref<640x8xf32, #tpu.memory_space<vmem_shared>>
      tpu.enqueue_dma source(%arg4 : memref<640x8xf32, #tpu.memory_space<hbm>>) target(%dma_start3A_15 : memref<640x8xf32, #tpu.memory_space<vmem_shared>>) target_semaphore(%run_scoped3A : memref<!tpu.dma_semaphore, #tpu.memory_space<semaphore_mem>>)
      %dma_wait3A = arith.constant 0 : i32
      %dma_wait3A_16 = tpu.memref_slice %arg8[%mul3A_2, %dma_wait3A] : memref<10240x8xf32, #tpu.memory_space<vmem_shared>> -> memref<640x8xf32, #tpu.memory_space<vmem_shared>>
      tpu.wait_dma2 semaphore(%run_scoped3A : memref<!tpu.dma_semaphore, #tpu.memory_space<semaphore_mem>>) src(%arg4 : memref<640x8xf32, #tpu.memory_space<hbm>>) dst(%dma_wait3A_16 : memref<640x8xf32, #tpu.memory_space<vmem_shared>>)
      tpu.yield
    }) : () -> ()
    %barrier3A = arith.constant 0 : index
    tpu.barrier barrier_id(%barrier3A)
    %scan3A = arith.constant 0 : i32
    %scan3A_3 = arith.constant 0 : i32
    %scan3A_4 = arith.constant 100 : i32
    %scan3A_5 = arith.addi %scan3A_3, %scan3A_4 : i32
    %scan3A_6 = arith.constant 1 : i32
    scf.for %scan3A_15 = %scan3A_3 to %scan3A_5 step %scan3A_6  : i32 {
      %dma_start3A = arith.constant 0 : i32
      %dma_start3A_16 = tpu.memref_slice %arg6[%scan3A_15, %dma_start3A] : memref<100x100xi32, #tpu.memory_space<vmem>> -> memref<1x100xi32, #tpu.memory_space<vmem>>
      %dma_start3A_17 = tpu.memref_squeeze %dma_start3A_16 : memref<1x100xi32, #tpu.memory_space<vmem>> -> memref<100xi32, #tpu.memory_space<vmem>>
      %dma_start3A_18 = arith.constant 0 : i32
      %dma_start3A_19 = arith.constant 0 : i32
      %dma_start3A_20 = tpu.memref_slice %arg8[%dma_start3A_18, %dma_start3A_19] : memref<10240x8xf32, #tpu.memory_space<vmem_shared>> -> memref<10240x8xf32, #tpu.memory_space<vmem_shared>>
      tpu.enqueue_indirect_dma source(%arg7 : memref<100x8xf32, #tpu.memory_space<vmem>>) target(%dma_start3A_20 : memref<10240x8xf32, #tpu.memory_space<vmem_shared>>) offsets(%dma_start3A_17 : memref<100xi32, #tpu.memory_space<vmem>>) semaphore(%arg9 : memref<!tpu.dma_semaphore, #tpu.memory_space<semaphore_mem>>) {add = true}
      %ge3A = arith.constant 8 : i32
      %ge3A_21 = arith.cmpi sge, %scan3A_15, %ge3A : i32
      %convert_element_type3A = arith.extui %ge3A_21 : i1 to i32
      %cond3A = arith.constant 0 : i32
      %cond3A_22 = arith.cmpi ne, %convert_element_type3A, %cond3A : i32
      scf.if %cond3A_22 {
        %sub3A = arith.constant 8 : i32
        %sub3A_23 = arith.subi %scan3A_15, %sub3A : i32
        %dma_wait3A = arith.constant 0 : i32
        %dma_wait3A_24 = tpu.memref_slice %arg6[%sub3A_23, %dma_wait3A] : memref<100x100xi32, #tpu.memory_space<vmem>> -> memref<1x100xi32, #tpu.memory_space<vmem>>
        %dma_wait3A_25 = tpu.memref_squeeze %dma_wait3A_24 : memref<1x100xi32, #tpu.memory_space<vmem>> -> memref<100xi32, #tpu.memory_space<vmem>>
        %dma_wait3A_26 = arith.constant 0 : i32
        %dma_wait3A_27 = arith.constant 0 : i32
        %dma_wait3A_28 = tpu.memref_slice %arg8[%dma_wait3A_26, %dma_wait3A_27] : memref<10240x8xf32, #tpu.memory_space<vmem_shared>> -> memref<10240x8xf32, #tpu.memory_space<vmem_shared>>
        tpu.wait_indirect_dma semaphore(%arg9 : memref<!tpu.dma_semaphore, #tpu.memory_space<semaphore_mem>>) src(%arg7 : memref<100x8xf32, #tpu.memory_space<vmem>>) dst(%dma_wait3A_28 : memref<10240x8xf32, #tpu.memory_space<vmem_shared>>)
      } else {
      }
    }
    %scan3A_7 = arith.constant 100 : i32
    %scan3A_8 = arith.constant 0 : i32
    %scan3A_9 = arith.constant 0 : i32
    %scan3A_10 = arith.constant 8 : i32
    %scan3A_11 = arith.addi %scan3A_9, %scan3A_10 : i32
    %scan3A_12 = arith.constant 1 : i32
    scf.for %scan3A_15 = %scan3A_9 to %scan3A_11 step %scan3A_12  : i32 {
      %dma_wait3A = arith.constant 0 : i32
      %dma_wait3A_16 = tpu.memref_slice %arg6[%scan3A_15, %dma_wait3A] : memref<100x100xi32, #tpu.memory_space<vmem>> -> memref<1x100xi32, #tpu.memory_space<vmem>>
      %dma_wait3A_17 = tpu.memref_squeeze %dma_wait3A_16 : memref<1x100xi32, #tpu.memory_space<vmem>> -> memref<100xi32, #tpu.memory_space<vmem>>
      %dma_wait3A_18 = arith.constant 0 : i32
      %dma_wait3A_19 = arith.constant 0 : i32
      %dma_wait3A_20 = tpu.memref_slice %arg8[%dma_wait3A_18, %dma_wait3A_19] : memref<10240x8xf32, #tpu.memory_space<vmem_shared>> -> memref<10240x8xf32, #tpu.memory_space<vmem_shared>>
      tpu.wait_indirect_dma semaphore(%arg9 : memref<!tpu.dma_semaphore, #tpu.memory_space<semaphore_mem>>) src(%arg7 : memref<100x8xf32, #tpu.memory_space<vmem>>) dst(%dma_wait3A_20 : memref<10240x8xf32, #tpu.memory_space<vmem_shared>>)
    }
    %scan3A_13 = arith.constant 8 : i32
    %barrier3A_14 = arith.constant 0 : index
    tpu.barrier barrier_id(%barrier3A_14)
    "tpu.region"() ({
      %run_scoped3A = tpu.sem_alloc : memref<!tpu.dma_semaphore, #tpu.memory_space<semaphore_mem>>
      %dma_start3A = arith.constant 0 : i32
      %dma_start3A_15 = arith.constant 0 : i32
      %dma_start3A_16 = tpu.memref_slice %arg5[%arg0, %dma_start3A, %dma_start3A_15] : memref<2x10240x8xf32, #tpu.memory_space<hbm>> -> memref<1x10240x8xf32, #tpu.memory_space<hbm>>
      %dma_start3A_17 = tpu.memref_squeeze %dma_start3A_16 : memref<1x10240x8xf32, #tpu.memory_space<hbm>> -> memref<10240x8xf32, #tpu.memory_space<hbm>>
      %dma_start3A_18 = arith.constant 0 : i32
      %dma_start3A_19 = tpu.memref_slice %dma_start3A_17[%mul3A_2, %dma_start3A_18] : memref<10240x8xf32, #tpu.memory_space<hbm>> -> memref<640x8xf32, #tpu.memory_space<hbm>>
      %dma_start3A_20 = arith.constant 0 : i32
      %dma_start3A_21 = tpu.memref_slice %arg8[%mul3A_2, %dma_start3A_20] : memref<10240x8xf32, #tpu.memory_space<vmem_shared>> -> memref<640x8xf32, #tpu.memory_space<vmem_shared>>
      tpu.enqueue_dma source(%dma_start3A_21 : memref<640x8xf32, #tpu.memory_space<vmem_shared>>) target(%dma_start3A_19 : memref<640x8xf32, #tpu.memory_space<hbm>>) target_semaphore(%run_scoped3A : memref<!tpu.dma_semaphore, #tpu.memory_space<semaphore_mem>>)
      %dma_wait3A = arith.constant 0 : i32
      %dma_wait3A_22 = arith.constant 0 : i32
      %dma_wait3A_23 = tpu.memref_slice %arg5[%arg0, %dma_wait3A, %dma_wait3A_22] : memref<2x10240x8xf32, #tpu.memory_space<hbm>> -> memref<1x10240x8xf32, #tpu.memory_space<hbm>>
      %dma_wait3A_24 = tpu.memref_squeeze %dma_wait3A_23 : memref<1x10240x8xf32, #tpu.memory_space<hbm>> -> memref<10240x8xf32, #tpu.memory_space<hbm>>
      %dma_wait3A_25 = arith.constant 0 : i32
      %dma_wait3A_26 = tpu.memref_slice %dma_wait3A_24[%mul3A_2, %dma_wait3A_25] : memref<10240x8xf32, #tpu.memory_space<hbm>> -> memref<640x8xf32, #tpu.memory_space<hbm>>
      %dma_wait3A_27 = arith.constant 0 : i32
      %dma_wait3A_28 = tpu.memref_slice %arg8[%mul3A_2, %dma_wait3A_27] : memref<10240x8xf32, #tpu.memory_space<vmem_shared>> -> memref<640x8xf32, #tpu.memory_space<vmem_shared>>
      tpu.wait_dma2 semaphore(%run_scoped3A : memref<!tpu.dma_semaphore, #tpu.memory_space<semaphore_mem>>) src(%dma_wait3A_28 : memref<640x8xf32, #tpu.memory_space<vmem_shared>>) dst(%dma_wait3A_26 : memref<640x8xf32, #tpu.memory_space<hbm>>)
      tpu.yield
    }) : () -> ()
    return
  }
}

#map = affine_map<(d0, d1) -> (0, 0, 0)>
#map1 = affine_map<(d0, d1) -> (0, 0)>
module attributes {stable_mosaic.version = 14 : i64} {
  func.func @body(%arg0: i32, %arg1: i32, %arg2: memref<2x10000x64xf32, #tpu.memory_space<hbm>>, %arg3: memref<32x100x100xi32, #tpu.memory_space<hbm>>, %arg4: memref<32x100x100xi32, #tpu.memory_space<hbm>>, %arg5: memref<640x64xf32, #tpu.memory_space<hbm>>, %arg6: memref<2x10240x64xf32, #tpu.memory_space<hbm>>, %arg7: memref<200x100xi32, #tpu.memory_space<vmem>>, %arg8: memref<200x100xi32, #tpu.memory_space<vmem>>, %arg9: memref<10240x64xf32, #tpu.memory_space<vmem_shared>>, %arg10: memref<6x100x64xf32, #tpu.memory_space<vmem>>, %arg11: memref<6x!tpu.dma_semaphore, #tpu.memory_space<semaphore_mem>>, %arg12: memref<6x!tpu.dma_semaphore, #tpu.memory_space<semaphore_mem>>) attributes {dimension_semantics = [#tpu.dimension_semantics<core_parallel>, #tpu.dimension_semantics<subcore_parallel>], iteration_bounds = array<i64: 2, 16>, scalar_prefetch = 0 : i64, scratch_operands = 6 : i64, tpu.core_type = #tpu.core_type<sc_vector_subcore>, window_params = [{transform_indices = #map}, {transform_indices = #map}, {transform_indices = #map}, {transform_indices = #map1}, {transform_indices = #map}]} {
    %mul3A = arith.constant 2 : i32
    %mul3A_0 = arith.muli %mul3A, %arg1 : i32
    %add3A = arith.constant 0 : i32
    %add3A_1 = arith.addi %mul3A_0, %add3A : i32
    "tpu.region"() ({
      %run_scoped3A = tpu.sem_alloc : memref<!tpu.dma_semaphore, #tpu.memory_space<semaphore_mem>>
      %dma_start3A = arith.constant 0 : i32
      %dma_start3A_28 = arith.constant 0 : i32
      %dma_start3A_29 = tpu.memref_slice %arg7[%dma_start3A, %dma_start3A_28] : memref<200x100xi32, #tpu.memory_space<vmem>> -> memref<100x100xi32, #tpu.memory_space<vmem>>
      %dma_start3A_30 = arith.constant 0 : i32
      %dma_start3A_31 = arith.constant 0 : i32
      %dma_start3A_32 = tpu.memref_slice %arg3[%add3A_1, %dma_start3A_30, %dma_start3A_31] : memref<32x100x100xi32, #tpu.memory_space<hbm>> -> memref<1x100x100xi32, #tpu.memory_space<hbm>>
      %dma_start3A_33 = tpu.memref_squeeze %dma_start3A_32 : memref<1x100x100xi32, #tpu.memory_space<hbm>> -> memref<100x100xi32, #tpu.memory_space<hbm>>
      %dma_start3A_34 = arith.constant 0 : i32
      %dma_start3A_35 = arith.constant 0 : i32
      %dma_start3A_36 = tpu.memref_slice %arg7[%dma_start3A_34, %dma_start3A_35] : memref<200x100xi32, #tpu.memory_space<vmem>> -> memref<100x100xi32, #tpu.memory_space<vmem>>
      %dma_start3A_37 = arith.constant 0 : i32
      %dma_start3A_38 = arith.constant 0 : i32
      %dma_start3A_39 = tpu.memref_slice %arg3[%add3A_1, %dma_start3A_37, %dma_start3A_38] : memref<32x100x100xi32, #tpu.memory_space<hbm>> -> memref<1x100x100xi32, #tpu.memory_space<hbm>>
      %dma_start3A_40 = tpu.memref_squeeze %dma_start3A_39 : memref<1x100x100xi32, #tpu.memory_space<hbm>> -> memref<100x100xi32, #tpu.memory_space<hbm>>
      tpu.enqueue_dma source(%dma_start3A_40 : memref<100x100xi32, #tpu.memory_space<hbm>>) target(%dma_start3A_36 : memref<100x100xi32, #tpu.memory_space<vmem>>) target_semaphore(%run_scoped3A : memref<!tpu.dma_semaphore, #tpu.memory_space<semaphore_mem>>)
      %dma_wait3A = arith.constant 0 : i32
      %dma_wait3A_41 = arith.constant 0 : i32
      %dma_wait3A_42 = tpu.memref_slice %arg7[%dma_wait3A, %dma_wait3A_41] : memref<200x100xi32, #tpu.memory_space<vmem>> -> memref<100x100xi32, #tpu.memory_space<vmem>>
      %dma_wait3A_43 = arith.constant 0 : i32
      %dma_wait3A_44 = arith.constant 0 : i32
      %dma_wait3A_45 = tpu.memref_slice %arg3[%add3A_1, %dma_wait3A_43, %dma_wait3A_44] : memref<32x100x100xi32, #tpu.memory_space<hbm>> -> memref<1x100x100xi32, #tpu.memory_space<hbm>>
      %dma_wait3A_46 = tpu.memref_squeeze %dma_wait3A_45 : memref<1x100x100xi32, #tpu.memory_space<hbm>> -> memref<100x100xi32, #tpu.memory_space<hbm>>
      %dma_wait3A_47 = arith.constant 0 : i32
      %dma_wait3A_48 = arith.constant 0 : i32
      %dma_wait3A_49 = tpu.memref_slice %arg7[%dma_wait3A_47, %dma_wait3A_48] : memref<200x100xi32, #tpu.memory_space<vmem>> -> memref<100x100xi32, #tpu.memory_space<vmem>>
      %dma_wait3A_50 = arith.constant 0 : i32
      %dma_wait3A_51 = arith.constant 0 : i32
      %dma_wait3A_52 = tpu.memref_slice %arg3[%add3A_1, %dma_wait3A_50, %dma_wait3A_51] : memref<32x100x100xi32, #tpu.memory_space<hbm>> -> memref<1x100x100xi32, #tpu.memory_space<hbm>>
      %dma_wait3A_53 = tpu.memref_squeeze %dma_wait3A_52 : memref<1x100x100xi32, #tpu.memory_space<hbm>> -> memref<100x100xi32, #tpu.memory_space<hbm>>
      tpu.wait_dma2 semaphore(%run_scoped3A : memref<!tpu.dma_semaphore, #tpu.memory_space<semaphore_mem>>) src(%dma_wait3A_53 : memref<100x100xi32, #tpu.memory_space<hbm>>) dst(%dma_wait3A_49 : memref<100x100xi32, #tpu.memory_space<vmem>>)
      tpu.yield
    }) : () -> ()
    %mul3A_2 = arith.constant 2 : i32
    %mul3A_3 = arith.muli %mul3A_2, %arg1 : i32
    %add3A_4 = arith.constant 0 : i32
    %add3A_5 = arith.addi %mul3A_3, %add3A_4 : i32
    "tpu.region"() ({
      %run_scoped3A = tpu.sem_alloc : memref<!tpu.dma_semaphore, #tpu.memory_space<semaphore_mem>>
      %dma_start3A = arith.constant 0 : i32
      %dma_start3A_28 = arith.constant 0 : i32
      %dma_start3A_29 = tpu.memref_slice %arg8[%dma_start3A, %dma_start3A_28] : memref<200x100xi32, #tpu.memory_space<vmem>> -> memref<100x100xi32, #tpu.memory_space<vmem>>
      %dma_start3A_30 = arith.constant 0 : i32
      %dma_start3A_31 = arith.constant 0 : i32
      %dma_start3A_32 = tpu.memref_slice %arg4[%add3A_5, %dma_start3A_30, %dma_start3A_31] : memref<32x100x100xi32, #tpu.memory_space<hbm>> -> memref<1x100x100xi32, #tpu.memory_space<hbm>>
      %dma_start3A_33 = tpu.memref_squeeze %dma_start3A_32 : memref<1x100x100xi32, #tpu.memory_space<hbm>> -> memref<100x100xi32, #tpu.memory_space<hbm>>
      %dma_start3A_34 = arith.constant 0 : i32
      %dma_start3A_35 = arith.constant 0 : i32
      %dma_start3A_36 = tpu.memref_slice %arg8[%dma_start3A_34, %dma_start3A_35] : memref<200x100xi32, #tpu.memory_space<vmem>> -> memref<100x100xi32, #tpu.memory_space<vmem>>
      %dma_start3A_37 = arith.constant 0 : i32
      %dma_start3A_38 = arith.constant 0 : i32
      %dma_start3A_39 = tpu.memref_slice %arg4[%add3A_5, %dma_start3A_37, %dma_start3A_38] : memref<32x100x100xi32, #tpu.memory_space<hbm>> -> memref<1x100x100xi32, #tpu.memory_space<hbm>>
      %dma_start3A_40 = tpu.memref_squeeze %dma_start3A_39 : memref<1x100x100xi32, #tpu.memory_space<hbm>> -> memref<100x100xi32, #tpu.memory_space<hbm>>
      tpu.enqueue_dma source(%dma_start3A_40 : memref<100x100xi32, #tpu.memory_space<hbm>>) target(%dma_start3A_36 : memref<100x100xi32, #tpu.memory_space<vmem>>) target_semaphore(%run_scoped3A : memref<!tpu.dma_semaphore, #tpu.memory_space<semaphore_mem>>)
      %dma_wait3A = arith.constant 0 : i32
      %dma_wait3A_41 = arith.constant 0 : i32
      %dma_wait3A_42 = tpu.memref_slice %arg8[%dma_wait3A, %dma_wait3A_41] : memref<200x100xi32, #tpu.memory_space<vmem>> -> memref<100x100xi32, #tpu.memory_space<vmem>>
      %dma_wait3A_43 = arith.constant 0 : i32
      %dma_wait3A_44 = arith.constant 0 : i32
      %dma_wait3A_45 = tpu.memref_slice %arg4[%add3A_5, %dma_wait3A_43, %dma_wait3A_44] : memref<32x100x100xi32, #tpu.memory_space<hbm>> -> memref<1x100x100xi32, #tpu.memory_space<hbm>>
      %dma_wait3A_46 = tpu.memref_squeeze %dma_wait3A_45 : memref<1x100x100xi32, #tpu.memory_space<hbm>> -> memref<100x100xi32, #tpu.memory_space<hbm>>
      %dma_wait3A_47 = arith.constant 0 : i32
      %dma_wait3A_48 = arith.constant 0 : i32
      %dma_wait3A_49 = tpu.memref_slice %arg8[%dma_wait3A_47, %dma_wait3A_48] : memref<200x100xi32, #tpu.memory_space<vmem>> -> memref<100x100xi32, #tpu.memory_space<vmem>>
      %dma_wait3A_50 = arith.constant 0 : i32
      %dma_wait3A_51 = arith.constant 0 : i32
      %dma_wait3A_52 = tpu.memref_slice %arg4[%add3A_5, %dma_wait3A_50, %dma_wait3A_51] : memref<32x100x100xi32, #tpu.memory_space<hbm>> -> memref<1x100x100xi32, #tpu.memory_space<hbm>>
      %dma_wait3A_53 = tpu.memref_squeeze %dma_wait3A_52 : memref<1x100x100xi32, #tpu.memory_space<hbm>> -> memref<100x100xi32, #tpu.memory_space<hbm>>
      tpu.wait_dma2 semaphore(%run_scoped3A : memref<!tpu.dma_semaphore, #tpu.memory_space<semaphore_mem>>) src(%dma_wait3A_53 : memref<100x100xi32, #tpu.memory_space<hbm>>) dst(%dma_wait3A_49 : memref<100x100xi32, #tpu.memory_space<vmem>>)
      tpu.yield
    }) : () -> ()
    %mul3A_6 = arith.constant 2 : i32
    %mul3A_7 = arith.muli %mul3A_6, %arg1 : i32
    %add3A_8 = arith.constant 1 : i32
    %add3A_9 = arith.addi %mul3A_7, %add3A_8 : i32
    "tpu.region"() ({
      %run_scoped3A = tpu.sem_alloc : memref<!tpu.dma_semaphore, #tpu.memory_space<semaphore_mem>>
      %dma_start3A = arith.constant 100 : i32
      %dma_start3A_28 = arith.constant 0 : i32
      %dma_start3A_29 = tpu.memref_slice %arg7[%dma_start3A, %dma_start3A_28] : memref<200x100xi32, #tpu.memory_space<vmem>> -> memref<100x100xi32, #tpu.memory_space<vmem>>
      %dma_start3A_30 = arith.constant 0 : i32
      %dma_start3A_31 = arith.constant 0 : i32
      %dma_start3A_32 = tpu.memref_slice %arg3[%add3A_9, %dma_start3A_30, %dma_start3A_31] : memref<32x100x100xi32, #tpu.memory_space<hbm>> -> memref<1x100x100xi32, #tpu.memory_space<hbm>>
      %dma_start3A_33 = tpu.memref_squeeze %dma_start3A_32 : memref<1x100x100xi32, #tpu.memory_space<hbm>> -> memref<100x100xi32, #tpu.memory_space<hbm>>
      %dma_start3A_34 = arith.constant 100 : i32
      %dma_start3A_35 = arith.constant 0 : i32
      %dma_start3A_36 = tpu.memref_slice %arg7[%dma_start3A_34, %dma_start3A_35] : memref<200x100xi32, #tpu.memory_space<vmem>> -> memref<100x100xi32, #tpu.memory_space<vmem>>
      %dma_start3A_37 = arith.constant 0 : i32
      %dma_start3A_38 = arith.constant 0 : i32
      %dma_start3A_39 = tpu.memref_slice %arg3[%add3A_9, %dma_start3A_37, %dma_start3A_38] : memref<32x100x100xi32, #tpu.memory_space<hbm>> -> memref<1x100x100xi32, #tpu.memory_space<hbm>>
      %dma_start3A_40 = tpu.memref_squeeze %dma_start3A_39 : memref<1x100x100xi32, #tpu.memory_space<hbm>> -> memref<100x100xi32, #tpu.memory_space<hbm>>
      tpu.enqueue_dma source(%dma_start3A_40 : memref<100x100xi32, #tpu.memory_space<hbm>>) target(%dma_start3A_36 : memref<100x100xi32, #tpu.memory_space<vmem>>) target_semaphore(%run_scoped3A : memref<!tpu.dma_semaphore, #tpu.memory_space<semaphore_mem>>)
      %dma_wait3A = arith.constant 100 : i32
      %dma_wait3A_41 = arith.constant 0 : i32
      %dma_wait3A_42 = tpu.memref_slice %arg7[%dma_wait3A, %dma_wait3A_41] : memref<200x100xi32, #tpu.memory_space<vmem>> -> memref<100x100xi32, #tpu.memory_space<vmem>>
      %dma_wait3A_43 = arith.constant 0 : i32
      %dma_wait3A_44 = arith.constant 0 : i32
      %dma_wait3A_45 = tpu.memref_slice %arg3[%add3A_9, %dma_wait3A_43, %dma_wait3A_44] : memref<32x100x100xi32, #tpu.memory_space<hbm>> -> memref<1x100x100xi32, #tpu.memory_space<hbm>>
      %dma_wait3A_46 = tpu.memref_squeeze %dma_wait3A_45 : memref<1x100x100xi32, #tpu.memory_space<hbm>> -> memref<100x100xi32, #tpu.memory_space<hbm>>
      %dma_wait3A_47 = arith.constant 100 : i32
      %dma_wait3A_48 = arith.constant 0 : i32
      %dma_wait3A_49 = tpu.memref_slice %arg7[%dma_wait3A_47, %dma_wait3A_48] : memref<200x100xi32, #tpu.memory_space<vmem>> -> memref<100x100xi32, #tpu.memory_space<vmem>>
      %dma_wait3A_50 = arith.constant 0 : i32
      %dma_wait3A_51 = arith.constant 0 : i32
      %dma_wait3A_52 = tpu.memref_slice %arg3[%add3A_9, %dma_wait3A_50, %dma_wait3A_51] : memref<32x100x100xi32, #tpu.memory_space<hbm>> -> memref<1x100x100xi32, #tpu.memory_space<hbm>>
      %dma_wait3A_53 = tpu.memref_squeeze %dma_wait3A_52 : memref<1x100x100xi32, #tpu.memory_space<hbm>> -> memref<100x100xi32, #tpu.memory_space<hbm>>
      tpu.wait_dma2 semaphore(%run_scoped3A : memref<!tpu.dma_semaphore, #tpu.memory_space<semaphore_mem>>) src(%dma_wait3A_53 : memref<100x100xi32, #tpu.memory_space<hbm>>) dst(%dma_wait3A_49 : memref<100x100xi32, #tpu.memory_space<vmem>>)
      tpu.yield
    }) : () -> ()
    %mul3A_10 = arith.constant 2 : i32
    %mul3A_11 = arith.muli %mul3A_10, %arg1 : i32
    %add3A_12 = arith.constant 1 : i32
    %add3A_13 = arith.addi %mul3A_11, %add3A_12 : i32
    "tpu.region"() ({
      %run_scoped3A = tpu.sem_alloc : memref<!tpu.dma_semaphore, #tpu.memory_space<semaphore_mem>>
      %dma_start3A = arith.constant 100 : i32
      %dma_start3A_28 = arith.constant 0 : i32
      %dma_start3A_29 = tpu.memref_slice %arg8[%dma_start3A, %dma_start3A_28] : memref<200x100xi32, #tpu.memory_space<vmem>> -> memref<100x100xi32, #tpu.memory_space<vmem>>
      %dma_start3A_30 = arith.constant 0 : i32
      %dma_start3A_31 = arith.constant 0 : i32
      %dma_start3A_32 = tpu.memref_slice %arg4[%add3A_13, %dma_start3A_30, %dma_start3A_31] : memref<32x100x100xi32, #tpu.memory_space<hbm>> -> memref<1x100x100xi32, #tpu.memory_space<hbm>>
      %dma_start3A_33 = tpu.memref_squeeze %dma_start3A_32 : memref<1x100x100xi32, #tpu.memory_space<hbm>> -> memref<100x100xi32, #tpu.memory_space<hbm>>
      %dma_start3A_34 = arith.constant 100 : i32
      %dma_start3A_35 = arith.constant 0 : i32
      %dma_start3A_36 = tpu.memref_slice %arg8[%dma_start3A_34, %dma_start3A_35] : memref<200x100xi32, #tpu.memory_space<vmem>> -> memref<100x100xi32, #tpu.memory_space<vmem>>
      %dma_start3A_37 = arith.constant 0 : i32
      %dma_start3A_38 = arith.constant 0 : i32
      %dma_start3A_39 = tpu.memref_slice %arg4[%add3A_13, %dma_start3A_37, %dma_start3A_38] : memref<32x100x100xi32, #tpu.memory_space<hbm>> -> memref<1x100x100xi32, #tpu.memory_space<hbm>>
      %dma_start3A_40 = tpu.memref_squeeze %dma_start3A_39 : memref<1x100x100xi32, #tpu.memory_space<hbm>> -> memref<100x100xi32, #tpu.memory_space<hbm>>
      tpu.enqueue_dma source(%dma_start3A_40 : memref<100x100xi32, #tpu.memory_space<hbm>>) target(%dma_start3A_36 : memref<100x100xi32, #tpu.memory_space<vmem>>) target_semaphore(%run_scoped3A : memref<!tpu.dma_semaphore, #tpu.memory_space<semaphore_mem>>)
      %dma_wait3A = arith.constant 100 : i32
      %dma_wait3A_41 = arith.constant 0 : i32
      %dma_wait3A_42 = tpu.memref_slice %arg8[%dma_wait3A, %dma_wait3A_41] : memref<200x100xi32, #tpu.memory_space<vmem>> -> memref<100x100xi32, #tpu.memory_space<vmem>>
      %dma_wait3A_43 = arith.constant 0 : i32
      %dma_wait3A_44 = arith.constant 0 : i32
      %dma_wait3A_45 = tpu.memref_slice %arg4[%add3A_13, %dma_wait3A_43, %dma_wait3A_44] : memref<32x100x100xi32, #tpu.memory_space<hbm>> -> memref<1x100x100xi32, #tpu.memory_space<hbm>>
      %dma_wait3A_46 = tpu.memref_squeeze %dma_wait3A_45 : memref<1x100x100xi32, #tpu.memory_space<hbm>> -> memref<100x100xi32, #tpu.memory_space<hbm>>
      %dma_wait3A_47 = arith.constant 100 : i32
      %dma_wait3A_48 = arith.constant 0 : i32
      %dma_wait3A_49 = tpu.memref_slice %arg8[%dma_wait3A_47, %dma_wait3A_48] : memref<200x100xi32, #tpu.memory_space<vmem>> -> memref<100x100xi32, #tpu.memory_space<vmem>>
      %dma_wait3A_50 = arith.constant 0 : i32
      %dma_wait3A_51 = arith.constant 0 : i32
      %dma_wait3A_52 = tpu.memref_slice %arg4[%add3A_13, %dma_wait3A_50, %dma_wait3A_51] : memref<32x100x100xi32, #tpu.memory_space<hbm>> -> memref<1x100x100xi32, #tpu.memory_space<hbm>>
      %dma_wait3A_53 = tpu.memref_squeeze %dma_wait3A_52 : memref<1x100x100xi32, #tpu.memory_space<hbm>> -> memref<100x100xi32, #tpu.memory_space<hbm>>
      tpu.wait_dma2 semaphore(%run_scoped3A : memref<!tpu.dma_semaphore, #tpu.memory_space<semaphore_mem>>) src(%dma_wait3A_53 : memref<100x100xi32, #tpu.memory_space<hbm>>) dst(%dma_wait3A_49 : memref<100x100xi32, #tpu.memory_space<vmem>>)
      tpu.yield
    }) : () -> ()
    %mul3A_14 = arith.constant 640 : i32
    %mul3A_15 = arith.muli %arg1, %mul3A_14 : i32
    "tpu.region"() ({
      %run_scoped3A = tpu.sem_alloc : memref<!tpu.dma_semaphore, #tpu.memory_space<semaphore_mem>>
      %dma_start3A = arith.constant 0 : i32
      %dma_start3A_28 = tpu.memref_slice %arg9[%mul3A_15, %dma_start3A] : memref<10240x64xf32, #tpu.memory_space<vmem_shared>> -> memref<640x64xf32, #tpu.memory_space<vmem_shared>>
      tpu.enqueue_dma source(%arg5 : memref<640x64xf32, #tpu.memory_space<hbm>>) target(%dma_start3A_28 : memref<640x64xf32, #tpu.memory_space<vmem_shared>>) target_semaphore(%run_scoped3A : memref<!tpu.dma_semaphore, #tpu.memory_space<semaphore_mem>>)
      %dma_wait3A = arith.constant 0 : i32
      %dma_wait3A_29 = tpu.memref_slice %arg9[%mul3A_15, %dma_wait3A] : memref<10240x64xf32, #tpu.memory_space<vmem_shared>> -> memref<640x64xf32, #tpu.memory_space<vmem_shared>>
      tpu.wait_dma2 semaphore(%run_scoped3A : memref<!tpu.dma_semaphore, #tpu.memory_space<semaphore_mem>>) src(%arg5 : memref<640x64xf32, #tpu.memory_space<hbm>>) dst(%dma_wait3A_29 : memref<640x64xf32, #tpu.memory_space<vmem_shared>>)
      tpu.yield
    }) : () -> ()
    %barrier3A = arith.constant 0 : index
    tpu.barrier barrier_id(%barrier3A)
    %scan3A = arith.constant 0 : i32
    %scan3A_16 = arith.constant 0 : i32
    %scan3A_17 = arith.constant 6 : i32
    %scan3A_18 = arith.addi %scan3A_16, %scan3A_17 : i32
    %scan3A_19 = arith.constant 1 : i32
    scf.for %scan3A_28 = %scan3A_16 to %scan3A_18 step %scan3A_19  : i32 {
      %dma_start3A = arith.constant 0 : i32
      %dma_start3A_29 = arith.constant 0 : i32
      %dma_start3A_30 = tpu.memref_slice %arg10[%scan3A_28, %dma_start3A, %dma_start3A_29] : memref<6x100x64xf32, #tpu.memory_space<vmem>> -> memref<1x100x64xf32, #tpu.memory_space<vmem>>
      %dma_start3A_31 = tpu.memref_squeeze %dma_start3A_30 : memref<1x100x64xf32, #tpu.memory_space<vmem>> -> memref<100x64xf32, #tpu.memory_space<vmem>>
      %dma_start3A_32 = arith.constant 0 : i32
      %dma_start3A_33 = tpu.memref_slice %arg7[%scan3A_28, %dma_start3A_32] : memref<200x100xi32, #tpu.memory_space<vmem>> -> memref<1x100xi32, #tpu.memory_space<vmem>>
      %dma_start3A_34 = tpu.memref_squeeze %dma_start3A_33 : memref<1x100xi32, #tpu.memory_space<vmem>> -> memref<100xi32, #tpu.memory_space<vmem>>
      %dma_start3A_35 = arith.constant 0 : i32
      %dma_start3A_36 = arith.constant 0 : i32
      %dma_start3A_37 = tpu.memref_slice %arg2[%arg0, %dma_start3A_35, %dma_start3A_36] : memref<2x10000x64xf32, #tpu.memory_space<hbm>> -> memref<1x10000x64xf32, #tpu.memory_space<hbm>>
      %dma_start3A_38 = tpu.memref_squeeze %dma_start3A_37 : memref<1x10000x64xf32, #tpu.memory_space<hbm>> -> memref<10000x64xf32, #tpu.memory_space<hbm>>
      %dma_start3A_39 = arith.constant 0 : i32
      %dma_start3A_40 = arith.constant 0 : i32
      %dma_start3A_41 = tpu.memref_slice %dma_start3A_38[%dma_start3A_39, %dma_start3A_40] : memref<10000x64xf32, #tpu.memory_space<hbm>> -> memref<10000x64xf32, #tpu.memory_space<hbm>>
      %dma_start3A_42 = tpu.memref_slice %arg11[%scan3A_28] : memref<6x!tpu.dma_semaphore, #tpu.memory_space<semaphore_mem>> -> memref<1x!tpu.dma_semaphore, #tpu.memory_space<semaphore_mem>>
      %dma_start3A_43 = tpu.memref_squeeze %dma_start3A_42 : memref<1x!tpu.dma_semaphore, #tpu.memory_space<semaphore_mem>> -> memref<!tpu.dma_semaphore, #tpu.memory_space<semaphore_mem>>
      tpu.enqueue_indirect_dma source(%dma_start3A_41 : memref<10000x64xf32, #tpu.memory_space<hbm>>) target(%dma_start3A_31 : memref<100x64xf32, #tpu.memory_space<vmem>>) offsets(%dma_start3A_34 : memref<100xi32, #tpu.memory_space<vmem>>) semaphore(%dma_start3A_43 : memref<!tpu.dma_semaphore, #tpu.memory_space<semaphore_mem>>)
    }
    %scan3A_20 = arith.constant 6 : i32
    %scan3A_21 = arith.constant 0 : i32
    %scan3A_22 = arith.constant 0 : i32
    %scan3A_23 = arith.constant 201 : i32
    %scan3A_24 = arith.addi %scan3A_22, %scan3A_23 : i32
    %scan3A_25 = arith.constant 1 : i32
    scf.for %scan3A_28 = %scan3A_22 to %scan3A_24 step %scan3A_25  : i32 {
      %lt3A = arith.constant 200 : i32
      %lt3A_29 = arith.cmpi slt, %scan3A_28, %lt3A : i32
      %convert_element_type3A = arith.extui %lt3A_29 : i1 to i32
      %cond3A = arith.constant 0 : i32
      %cond3A_30 = arith.cmpi ne, %convert_element_type3A, %cond3A : i32
      scf.if %cond3A_30 {
        %rem3A = arith.constant 6 : i32
        %rem3A_35 = arith.remsi %scan3A_28, %rem3A : i32
        %dma_wait3A = arith.constant 0 : i32
        %dma_wait3A_36 = arith.constant 0 : i32
        %dma_wait3A_37 = tpu.memref_slice %arg10[%rem3A_35, %dma_wait3A, %dma_wait3A_36] : memref<6x100x64xf32, #tpu.memory_space<vmem>> -> memref<1x100x64xf32, #tpu.memory_space<vmem>>
        %dma_wait3A_38 = tpu.memref_squeeze %dma_wait3A_37 : memref<1x100x64xf32, #tpu.memory_space<vmem>> -> memref<100x64xf32, #tpu.memory_space<vmem>>
        %dma_wait3A_39 = arith.constant 0 : i32
        %dma_wait3A_40 = tpu.memref_slice %arg7[%scan3A_28, %dma_wait3A_39] : memref<200x100xi32, #tpu.memory_space<vmem>> -> memref<1x100xi32, #tpu.memory_space<vmem>>
        %dma_wait3A_41 = tpu.memref_squeeze %dma_wait3A_40 : memref<1x100xi32, #tpu.memory_space<vmem>> -> memref<100xi32, #tpu.memory_space<vmem>>
        %dma_wait3A_42 = arith.constant 0 : i32
        %dma_wait3A_43 = arith.constant 0 : i32
        %dma_wait3A_44 = tpu.memref_slice %arg2[%arg0, %dma_wait3A_42, %dma_wait3A_43] : memref<2x10000x64xf32, #tpu.memory_space<hbm>> -> memref<1x10000x64xf32, #tpu.memory_space<hbm>>
        %dma_wait3A_45 = tpu.memref_squeeze %dma_wait3A_44 : memref<1x10000x64xf32, #tpu.memory_space<hbm>> -> memref<10000x64xf32, #tpu.memory_space<hbm>>
        %dma_wait3A_46 = arith.constant 0 : i32
        %dma_wait3A_47 = arith.constant 0 : i32
        %dma_wait3A_48 = tpu.memref_slice %dma_wait3A_45[%dma_wait3A_46, %dma_wait3A_47] : memref<10000x64xf32, #tpu.memory_space<hbm>> -> memref<10000x64xf32, #tpu.memory_space<hbm>>
        %dma_wait3A_49 = tpu.memref_slice %arg11[%rem3A_35] : memref<6x!tpu.dma_semaphore, #tpu.memory_space<semaphore_mem>> -> memref<1x!tpu.dma_semaphore, #tpu.memory_space<semaphore_mem>>
        %dma_wait3A_50 = tpu.memref_squeeze %dma_wait3A_49 : memref<1x!tpu.dma_semaphore, #tpu.memory_space<semaphore_mem>> -> memref<!tpu.dma_semaphore, #tpu.memory_space<semaphore_mem>>
        tpu.wait_indirect_dma semaphore(%dma_wait3A_50 : memref<!tpu.dma_semaphore, #tpu.memory_space<semaphore_mem>>) src(%dma_wait3A_48 : memref<10000x64xf32, #tpu.memory_space<hbm>>) dst(%dma_wait3A_38 : memref<100x64xf32, #tpu.memory_space<vmem>>)
        %dma_start3A = arith.constant 0 : i32
        %dma_start3A_51 = arith.constant 0 : i32
        %dma_start3A_52 = tpu.memref_slice %arg10[%rem3A_35, %dma_start3A, %dma_start3A_51] : memref<6x100x64xf32, #tpu.memory_space<vmem>> -> memref<1x100x64xf32, #tpu.memory_space<vmem>>
        %dma_start3A_53 = tpu.memref_squeeze %dma_start3A_52 : memref<1x100x64xf32, #tpu.memory_space<vmem>> -> memref<100x64xf32, #tpu.memory_space<vmem>>
        %dma_start3A_54 = arith.constant 0 : i32
        %dma_start3A_55 = tpu.memref_slice %arg8[%scan3A_28, %dma_start3A_54] : memref<200x100xi32, #tpu.memory_space<vmem>> -> memref<1x100xi32, #tpu.memory_space<vmem>>
        %dma_start3A_56 = tpu.memref_squeeze %dma_start3A_55 : memref<1x100xi32, #tpu.memory_space<vmem>> -> memref<100xi32, #tpu.memory_space<vmem>>
        %dma_start3A_57 = arith.constant 0 : i32
        %dma_start3A_58 = arith.constant 0 : i32
        %dma_start3A_59 = tpu.memref_slice %arg9[%dma_start3A_57, %dma_start3A_58] : memref<10240x64xf32, #tpu.memory_space<vmem_shared>> -> memref<10240x64xf32, #tpu.memory_space<vmem_shared>>
        %dma_start3A_60 = tpu.memref_slice %arg12[%rem3A_35] : memref<6x!tpu.dma_semaphore, #tpu.memory_space<semaphore_mem>> -> memref<1x!tpu.dma_semaphore, #tpu.memory_space<semaphore_mem>>
        %dma_start3A_61 = tpu.memref_squeeze %dma_start3A_60 : memref<1x!tpu.dma_semaphore, #tpu.memory_space<semaphore_mem>> -> memref<!tpu.dma_semaphore, #tpu.memory_space<semaphore_mem>>
        tpu.enqueue_indirect_dma source(%dma_start3A_53 : memref<100x64xf32, #tpu.memory_space<vmem>>) target(%dma_start3A_59 : memref<10240x64xf32, #tpu.memory_space<vmem_shared>>) offsets(%dma_start3A_56 : memref<100xi32, #tpu.memory_space<vmem>>) semaphore(%dma_start3A_61 : memref<!tpu.dma_semaphore, #tpu.memory_space<semaphore_mem>>) {add = true}
      } else {
      }
      %ge3A = arith.constant 1 : i32
      %ge3A_31 = arith.cmpi sge, %scan3A_28, %ge3A : i32
      %convert_element_type3A_32 = arith.extui %ge3A_31 : i1 to i32
      %cond3A_33 = arith.constant 0 : i32
      %cond3A_34 = arith.cmpi ne, %convert_element_type3A_32, %cond3A_33 : i32
      scf.if %cond3A_34 {
        %sub3A = arith.constant 1 : i32
        %sub3A_35 = arith.subi %scan3A_28, %sub3A : i32
        %rem3A = arith.constant 6 : i32
        %rem3A_36 = arith.remsi %sub3A_35, %rem3A : i32
        %dma_wait3A = arith.constant 0 : i32
        %dma_wait3A_37 = arith.constant 0 : i32
        %dma_wait3A_38 = tpu.memref_slice %arg10[%rem3A_36, %dma_wait3A, %dma_wait3A_37] : memref<6x100x64xf32, #tpu.memory_space<vmem>> -> memref<1x100x64xf32, #tpu.memory_space<vmem>>
        %dma_wait3A_39 = tpu.memref_squeeze %dma_wait3A_38 : memref<1x100x64xf32, #tpu.memory_space<vmem>> -> memref<100x64xf32, #tpu.memory_space<vmem>>
        %dma_wait3A_40 = arith.constant 0 : i32
        %dma_wait3A_41 = tpu.memref_slice %arg8[%sub3A_35, %dma_wait3A_40] : memref<200x100xi32, #tpu.memory_space<vmem>> -> memref<1x100xi32, #tpu.memory_space<vmem>>
        %dma_wait3A_42 = tpu.memref_squeeze %dma_wait3A_41 : memref<1x100xi32, #tpu.memory_space<vmem>> -> memref<100xi32, #tpu.memory_space<vmem>>
        %dma_wait3A_43 = arith.constant 0 : i32
        %dma_wait3A_44 = arith.constant 0 : i32
        %dma_wait3A_45 = tpu.memref_slice %arg9[%dma_wait3A_43, %dma_wait3A_44] : memref<10240x64xf32, #tpu.memory_space<vmem_shared>> -> memref<10240x64xf32, #tpu.memory_space<vmem_shared>>
        %dma_wait3A_46 = tpu.memref_slice %arg12[%rem3A_36] : memref<6x!tpu.dma_semaphore, #tpu.memory_space<semaphore_mem>> -> memref<1x!tpu.dma_semaphore, #tpu.memory_space<semaphore_mem>>
        %dma_wait3A_47 = tpu.memref_squeeze %dma_wait3A_46 : memref<1x!tpu.dma_semaphore, #tpu.memory_space<semaphore_mem>> -> memref<!tpu.dma_semaphore, #tpu.memory_space<semaphore_mem>>
        tpu.wait_indirect_dma semaphore(%dma_wait3A_47 : memref<!tpu.dma_semaphore, #tpu.memory_space<semaphore_mem>>) src(%dma_wait3A_39 : memref<100x64xf32, #tpu.memory_space<vmem>>) dst(%dma_wait3A_45 : memref<10240x64xf32, #tpu.memory_space<vmem_shared>>)
        %add3A_48 = arith.constant 6 : i32
        %add3A_49 = arith.addi %sub3A_35, %add3A_48 : i32
        %lt3A_50 = arith.constant 200 : i32
        %lt3A_51 = arith.cmpi slt, %add3A_49, %lt3A_50 : i32
        %convert_element_type3A_52 = arith.extui %lt3A_51 : i1 to i32
        %cond3A_53 = arith.constant 0 : i32
        %cond3A_54 = arith.cmpi ne, %convert_element_type3A_52, %cond3A_53 : i32
        scf.if %cond3A_54 {
          %add3A_55 = arith.constant 6 : i32
          %add3A_56 = arith.addi %sub3A_35, %add3A_55 : i32
          %dma_start3A = arith.constant 0 : i32
          %dma_start3A_57 = arith.constant 0 : i32
          %dma_start3A_58 = tpu.memref_slice %arg10[%rem3A_36, %dma_start3A, %dma_start3A_57] : memref<6x100x64xf32, #tpu.memory_space<vmem>> -> memref<1x100x64xf32, #tpu.memory_space<vmem>>
          %dma_start3A_59 = tpu.memref_squeeze %dma_start3A_58 : memref<1x100x64xf32, #tpu.memory_space<vmem>> -> memref<100x64xf32, #tpu.memory_space<vmem>>
          %dma_start3A_60 = arith.constant 0 : i32
          %dma_start3A_61 = tpu.memref_slice %arg7[%add3A_56, %dma_start3A_60] : memref<200x100xi32, #tpu.memory_space<vmem>> -> memref<1x100xi32, #tpu.memory_space<vmem>>
          %dma_start3A_62 = tpu.memref_squeeze %dma_start3A_61 : memref<1x100xi32, #tpu.memory_space<vmem>> -> memref<100xi32, #tpu.memory_space<vmem>>
          %dma_start3A_63 = arith.constant 0 : i32
          %dma_start3A_64 = arith.constant 0 : i32
          %dma_start3A_65 = tpu.memref_slice %arg2[%arg0, %dma_start3A_63, %dma_start3A_64] : memref<2x10000x64xf32, #tpu.memory_space<hbm>> -> memref<1x10000x64xf32, #tpu.memory_space<hbm>>
          %dma_start3A_66 = tpu.memref_squeeze %dma_start3A_65 : memref<1x10000x64xf32, #tpu.memory_space<hbm>> -> memref<10000x64xf32, #tpu.memory_space<hbm>>
          %dma_start3A_67 = arith.constant 0 : i32
          %dma_start3A_68 = arith.constant 0 : i32
          %dma_start3A_69 = tpu.memref_slice %dma_start3A_66[%dma_start3A_67, %dma_start3A_68] : memref<10000x64xf32, #tpu.memory_space<hbm>> -> memref<10000x64xf32, #tpu.memory_space<hbm>>
          %dma_start3A_70 = tpu.memref_slice %arg11[%rem3A_36] : memref<6x!tpu.dma_semaphore, #tpu.memory_space<semaphore_mem>> -> memref<1x!tpu.dma_semaphore, #tpu.memory_space<semaphore_mem>>
          %dma_start3A_71 = tpu.memref_squeeze %dma_start3A_70 : memref<1x!tpu.dma_semaphore, #tpu.memory_space<semaphore_mem>> -> memref<!tpu.dma_semaphore, #tpu.memory_space<semaphore_mem>>
          tpu.enqueue_indirect_dma source(%dma_start3A_69 : memref<10000x64xf32, #tpu.memory_space<hbm>>) target(%dma_start3A_59 : memref<100x64xf32, #tpu.memory_space<vmem>>) offsets(%dma_start3A_62 : memref<100xi32, #tpu.memory_space<vmem>>) semaphore(%dma_start3A_71 : memref<!tpu.dma_semaphore, #tpu.memory_space<semaphore_mem>>)
        } else {
        }
      } else {
      }
    }
    %scan3A_26 = arith.constant 201 : i32
    %barrier3A_27 = arith.constant 0 : index
    tpu.barrier barrier_id(%barrier3A_27)
    "tpu.region"() ({
      %run_scoped3A = tpu.sem_alloc : memref<!tpu.dma_semaphore, #tpu.memory_space<semaphore_mem>>
      %dma_start3A = arith.constant 0 : i32
      %dma_start3A_28 = arith.constant 0 : i32
      %dma_start3A_29 = tpu.memref_slice %arg6[%arg0, %dma_start3A, %dma_start3A_28] : memref<2x10240x64xf32, #tpu.memory_space<hbm>> -> memref<1x10240x64xf32, #tpu.memory_space<hbm>>
      %dma_start3A_30 = tpu.memref_squeeze %dma_start3A_29 : memref<1x10240x64xf32, #tpu.memory_space<hbm>> -> memref<10240x64xf32, #tpu.memory_space<hbm>>
      %dma_start3A_31 = arith.constant 0 : i32
      %dma_start3A_32 = tpu.memref_slice %dma_start3A_30[%mul3A_15, %dma_start3A_31] : memref<10240x64xf32, #tpu.memory_space<hbm>> -> memref<640x64xf32, #tpu.memory_space<hbm>>
      %dma_start3A_33 = arith.constant 0 : i32
      %dma_start3A_34 = tpu.memref_slice %arg9[%mul3A_15, %dma_start3A_33] : memref<10240x64xf32, #tpu.memory_space<vmem_shared>> -> memref<640x64xf32, #tpu.memory_space<vmem_shared>>
      tpu.enqueue_dma source(%dma_start3A_34 : memref<640x64xf32, #tpu.memory_space<vmem_shared>>) target(%dma_start3A_32 : memref<640x64xf32, #tpu.memory_space<hbm>>) target_semaphore(%run_scoped3A : memref<!tpu.dma_semaphore, #tpu.memory_space<semaphore_mem>>)
      %dma_wait3A = arith.constant 0 : i32
      %dma_wait3A_35 = arith.constant 0 : i32
      %dma_wait3A_36 = tpu.memref_slice %arg6[%arg0, %dma_wait3A, %dma_wait3A_35] : memref<2x10240x64xf32, #tpu.memory_space<hbm>> -> memref<1x10240x64xf32, #tpu.memory_space<hbm>>
      %dma_wait3A_37 = tpu.memref_squeeze %dma_wait3A_36 : memref<1x10240x64xf32, #tpu.memory_space<hbm>> -> memref<10240x64xf32, #tpu.memory_space<hbm>>
      %dma_wait3A_38 = arith.constant 0 : i32
      %dma_wait3A_39 = tpu.memref_slice %dma_wait3A_37[%mul3A_15, %dma_wait3A_38] : memref<10240x64xf32, #tpu.memory_space<hbm>> -> memref<640x64xf32, #tpu.memory_space<hbm>>
      %dma_wait3A_40 = arith.constant 0 : i32
      %dma_wait3A_41 = tpu.memref_slice %arg9[%mul3A_15, %dma_wait3A_40] : memref<10240x64xf32, #tpu.memory_space<vmem_shared>> -> memref<640x64xf32, #tpu.memory_space<vmem_shared>>
      tpu.wait_dma2 semaphore(%run_scoped3A : memref<!tpu.dma_semaphore, #tpu.memory_space<semaphore_mem>>) src(%dma_wait3A_41 : memref<640x64xf32, #tpu.memory_space<vmem_shared>>) dst(%dma_wait3A_39 : memref<640x64xf32, #tpu.memory_space<hbm>>)
      tpu.yield
    }) : () -> ()
    return
  }
}

module attributes {stable_mosaic.version = 14 : i64} {
  func.func @_layer_body(%arg0: i32, %arg1: memref<2x1024x64xf32, #tpu.memory_space<vmem>>, %arg2: memref<2x1024x8xf32, #tpu.memory_space<vmem>>, %arg3: memref<1x128xf32, #tpu.memory_space<vmem>>, %arg4: memref<64x128xf32, #tpu.memory_space<vmem>>, %arg5: memref<64x128xf32, #tpu.memory_space<vmem>>, %arg6: memref<128x64xf32, #tpu.memory_space<vmem>>, %arg7: memref<1024x64xf32, #tpu.memory_space<vmem>>) attributes {dimension_semantics = [#tpu.dimension_semantics<arbitrary>], iteration_bounds = array<i64: 10>, scalar_prefetch = 0 : i64, scratch_operands = 0 : i64, tpu.core_type = #tpu.core_type<tc>, window_params = [{transform_indices = @transform_0, window_bounds = array<i64: 2, 1024, 64>}, {transform_indices = @transform_1, window_bounds = array<i64: 2, 1024, 8>}, {pipeline_mode = #tpu.pipeline_mode<synchronous>, transform_indices = @transform_2, window_bounds = array<i64: 1, 128>}, {pipeline_mode = #tpu.pipeline_mode<synchronous>, transform_indices = @transform_3, window_bounds = array<i64: 64, 128>}, {pipeline_mode = #tpu.pipeline_mode<synchronous>, transform_indices = @transform_4, window_bounds = array<i64: 64, 128>}, {pipeline_mode = #tpu.pipeline_mode<synchronous>, transform_indices = @transform_5, window_bounds = array<i64: 128, 64>}, {transform_indices = @transform_6, window_bounds = array<i64: 1024, 64>}]} {
    %get3A = arith.constant 0 : index
    %get3A_0 = arith.constant 0 : index
    %get3A_1 = arith.constant 0 : index
    %get3A_2 = vector.load %arg2[%get3A, %get3A_0, %get3A_1] : memref<2x1024x8xf32, #tpu.memory_space<vmem>>, vector<1x1024x1xf32>
    %get3A_3 = vector.shape_cast %get3A_2 : vector<1x1024x1xf32> to vector<1024x1xf32>
    %get3A_4 = arith.constant 1 : index
    %get3A_5 = arith.constant 0 : index
    %get3A_6 = arith.constant 0 : index
    %get3A_7 = vector.load %arg2[%get3A_4, %get3A_5, %get3A_6] : memref<2x1024x8xf32, #tpu.memory_space<vmem>>, vector<1x1024x1xf32>
    %get3A_8 = vector.shape_cast %get3A_7 : vector<1x1024x1xf32> to vector<1024x1xf32>
    %add3A = arith.addf %get3A_3, %get3A_8 : vector<1024x1xf32>
    %max3A = arith.constant 1.000000e+00 : f32
    %max3A_9 = vector.broadcast %max3A : f32 to vector<1024x1xf32>
    %max3A_10 = arith.maximumf %add3A, %max3A_9 : vector<1024x1xf32>
    %get3A_11 = arith.constant 0 : index
    %get3A_12 = arith.constant 0 : index
    %get3A_13 = arith.constant 0 : index
    %get3A_14 = vector.load %arg1[%get3A_11, %get3A_12, %get3A_13] : memref<2x1024x64xf32, #tpu.memory_space<vmem>>, vector<1x1024x64xf32>
    %get3A_15 = vector.shape_cast %get3A_14 : vector<1x1024x64xf32> to vector<1024x64xf32>
    %div3A = vector.broadcast %max3A_10 : vector<1024x1xf32> to vector<1024x64xf32>
    %div3A_16 = arith.divf %get3A_15, %div3A : vector<1024x64xf32>
    %get3A_17 = arith.constant 1 : index
    %get3A_18 = arith.constant 0 : index
    %get3A_19 = arith.constant 0 : index
    %get3A_20 = vector.load %arg1[%get3A_17, %get3A_18, %get3A_19] : memref<2x1024x64xf32, #tpu.memory_space<vmem>>, vector<1x1024x64xf32>
    %get3A_21 = vector.shape_cast %get3A_20 : vector<1x1024x64xf32> to vector<1024x64xf32>
    %div3A_22 = vector.broadcast %max3A_10 : vector<1024x1xf32> to vector<1024x64xf32>
    %div3A_23 = arith.divf %get3A_21, %div3A_22 : vector<1024x64xf32>
    %get3A_24 = arith.constant 0 : index
    %get3A_25 = arith.constant 0 : index
    %get3A_26 = vector.load %arg4[%get3A_24, %get3A_25] : memref<64x128xf32, #tpu.memory_space<vmem>>, vector<64x128xf32>
    %dot_general3A = arith.constant dense<0.000000e+00> : vector<1024x128xf32>
    %dot_general3A_27 = tpu.matmul %div3A_16, %get3A_26, %dot_general3A {dimension_numbers = #tpu.dot_dimension_numbers<[1], [0], [0], [1], [0, 0, 1, 1], [], []>, transpose_lhs_hint = false} : vector<1024x64xf32>, vector<64x128xf32>, vector<1024x128xf32> -> vector<1024x128xf32>
    %get3A_28 = arith.constant 0 : index
    %get3A_29 = arith.constant 0 : index
    %get3A_30 = vector.load %arg5[%get3A_28, %get3A_29] : memref<64x128xf32, #tpu.memory_space<vmem>>, vector<64x128xf32>
    %dot_general3A_31 = arith.constant dense<0.000000e+00> : vector<1024x128xf32>
    %dot_general3A_32 = tpu.matmul %div3A_23, %get3A_30, %dot_general3A_31 {dimension_numbers = #tpu.dot_dimension_numbers<[1], [0], [0], [1], [0, 0, 1, 1], [], []>, transpose_lhs_hint = false} : vector<1024x64xf32>, vector<64x128xf32>, vector<1024x128xf32> -> vector<1024x128xf32>
    %add3A_33 = arith.addf %dot_general3A_27, %dot_general3A_32 : vector<1024x128xf32>
    %get3A_34 = arith.constant 0 : index
    %get3A_35 = arith.constant 0 : index
    %get3A_36 = vector.load %arg3[%get3A_34, %get3A_35] : memref<1x128xf32, #tpu.memory_space<vmem>>, vector<1x128xf32>
    %add3A_37 = vector.broadcast %get3A_36 : vector<1x128xf32> to vector<1024x128xf32>
    %add3A_38 = arith.addf %add3A_33, %add3A_37 : vector<1024x128xf32>
    %max3A_39 = arith.constant 0.000000e+00 : f32
    %max3A_40 = vector.broadcast %max3A_39 : f32 to vector<1024x128xf32>
    %max3A_41 = arith.maximumf %add3A_38, %max3A_40 : vector<1024x128xf32>
    %get3A_42 = arith.constant 0 : index
    %get3A_43 = arith.constant 0 : index
    %get3A_44 = vector.load %arg6[%get3A_42, %get3A_43] : memref<128x64xf32, #tpu.memory_space<vmem>>, vector<128x64xf32>
    %dot_general3A_45 = arith.constant dense<0.000000e+00> : vector<1024x64xf32>
    %dot_general3A_46 = tpu.matmul %max3A_41, %get3A_44, %dot_general3A_45 {dimension_numbers = #tpu.dot_dimension_numbers<[1], [0], [0], [1], [0, 0, 1, 1], [], []>, transpose_lhs_hint = false} : vector<1024x128xf32>, vector<128x64xf32>, vector<1024x64xf32> -> vector<1024x64xf32>
    %swap3A = arith.constant 0 : index
    %swap3A_47 = arith.constant 0 : index
    %swap3A_48 = vector.load %arg7[%swap3A, %swap3A_47] : memref<1024x64xf32, #tpu.memory_space<vmem>>, vector<1024x64xf32>
    tpu.vector_store %arg7[%swap3A, %swap3A_47], %dot_general3A_46 {strides = array<i32>} : memref<1024x64xf32, #tpu.memory_space<vmem>>, vector<1024x64xf32>,
    return
  }
  func.func @transform_0(%arg0: i32) -> (i32, i32, i32) {
    %c0_i32 = arith.constant 0 : i32
    %c0_i32_0 = arith.constant 0 : i32
    %c0_i32_1 = arith.constant 0 : i32
    return %c0_i32, %arg0, %c0_i32_0 : i32, i32, i32
  }
  func.func @transform_1(%arg0: i32) -> (i32, i32, i32) {
    %c0_i32 = arith.constant 0 : i32
    %c0_i32_0 = arith.constant 0 : i32
    %c0_i32_1 = arith.constant 0 : i32
    return %c0_i32, %arg0, %c0_i32_0 : i32, i32, i32
  }
  func.func @transform_2(%arg0: i32) -> (i32, i32) {
    %c0_i32 = arith.constant 0 : i32
    %c0_i32_0 = arith.constant 0 : i32
    %c0_i32_1 = arith.constant 0 : i32
    return %c0_i32, %c0_i32_0 : i32, i32
  }
  func.func @transform_3(%arg0: i32) -> (i32, i32) {
    %c0_i32 = arith.constant 0 : i32
    %c0_i32_0 = arith.constant 0 : i32
    %c0_i32_1 = arith.constant 0 : i32
    return %c0_i32, %c0_i32_0 : i32, i32
  }
  func.func @transform_4(%arg0: i32) -> (i32, i32) {
    %c0_i32 = arith.constant 0 : i32
    %c0_i32_0 = arith.constant 0 : i32
    %c0_i32_1 = arith.constant 0 : i32
    return %c0_i32, %c0_i32_0 : i32, i32
  }
  func.func @transform_5(%arg0: i32) -> (i32, i32) {
    %c0_i32 = arith.constant 0 : i32
    %c0_i32_0 = arith.constant 0 : i32
    %c0_i32_1 = arith.constant 0 : i32
    return %c0_i32, %c0_i32_0 : i32, i32
  }
  func.func @transform_6(%arg0: i32) -> (i32, i32) {
    %c0_i32 = arith.constant 0 : i32
    %c0_i32_0 = arith.constant 0 : i32
    return %arg0, %c0_i32 : i32, i32
  }
}

module attributes {stable_mosaic.version = 14 : i64} {
  func.func @_out_body(%arg0: i32, %arg1: memref<2x1000x64xf32, #tpu.memory_space<vmem>>, %arg2: memref<2x1000x8xf32, #tpu.memory_space<vmem>>, %arg3: memref<1x64xf32, #tpu.memory_space<vmem>>, %arg4: memref<64x64xf32, #tpu.memory_space<vmem>>, %arg5: memref<1x64xf32, #tpu.memory_space<vmem>>, %arg6: memref<1000x64xf32, #tpu.memory_space<vmem>>) attributes {dimension_semantics = [#tpu.dimension_semantics<arbitrary>], iteration_bounds = array<i64: 10>, scalar_prefetch = 0 : i64, scratch_operands = 0 : i64, tpu.core_type = #tpu.core_type<tc>, window_params = [{transform_indices = @transform_0, window_bounds = array<i64: 2, 1000, 64>}, {transform_indices = @transform_1, window_bounds = array<i64: 2, 1000, 8>}, {pipeline_mode = #tpu.pipeline_mode<synchronous>, transform_indices = @transform_2, window_bounds = array<i64: 1, 64>}, {pipeline_mode = #tpu.pipeline_mode<synchronous>, transform_indices = @transform_3, window_bounds = array<i64: 64, 64>}, {pipeline_mode = #tpu.pipeline_mode<synchronous>, transform_indices = @transform_4, window_bounds = array<i64: 1, 64>}, {transform_indices = @transform_5, window_bounds = array<i64: 1000, 64>}]} {
    %get3A = arith.constant 0 : index
    %get3A_0 = arith.constant 0 : index
    %get3A_1 = arith.constant 0 : index
    %get3A_2 = vector.load %arg1[%get3A, %get3A_0, %get3A_1] : memref<2x1000x64xf32, #tpu.memory_space<vmem>>, vector<1x1000x64xf32>
    %get3A_3 = vector.shape_cast %get3A_2 : vector<1x1000x64xf32> to vector<1000x64xf32>
    %get3A_4 = arith.constant 1 : index
    %get3A_5 = arith.constant 0 : index
    %get3A_6 = arith.constant 0 : index
    %get3A_7 = vector.load %arg1[%get3A_4, %get3A_5, %get3A_6] : memref<2x1000x64xf32, #tpu.memory_space<vmem>>, vector<1x1000x64xf32>
    %get3A_8 = vector.shape_cast %get3A_7 : vector<1x1000x64xf32> to vector<1000x64xf32>
    %add3A = arith.addf %get3A_3, %get3A_8 : vector<1000x64xf32>
    %get3A_9 = arith.constant 0 : index
    %get3A_10 = arith.constant 0 : index
    %get3A_11 = arith.constant 0 : index
    %get3A_12 = vector.load %arg2[%get3A_9, %get3A_10, %get3A_11] : memref<2x1000x8xf32, #tpu.memory_space<vmem>>, vector<1x1000x1xf32>
    %get3A_13 = vector.shape_cast %get3A_12 : vector<1x1000x1xf32> to vector<1000x1xf32>
    %get3A_14 = arith.constant 1 : index
    %get3A_15 = arith.constant 0 : index
    %get3A_16 = arith.constant 0 : index
    %get3A_17 = vector.load %arg2[%get3A_14, %get3A_15, %get3A_16] : memref<2x1000x8xf32, #tpu.memory_space<vmem>>, vector<1x1000x1xf32>
    %get3A_18 = vector.shape_cast %get3A_17 : vector<1x1000x1xf32> to vector<1000x1xf32>
    %add3A_19 = arith.addf %get3A_13, %get3A_18 : vector<1000x1xf32>
    %max3A = arith.constant 1.000000e+00 : f32
    %max3A_20 = vector.broadcast %max3A : f32 to vector<1000x1xf32>
    %max3A_21 = arith.maximumf %add3A_19, %max3A_20 : vector<1000x1xf32>
    %div3A = vector.broadcast %max3A_21 : vector<1000x1xf32> to vector<1000x64xf32>
    %div3A_22 = arith.divf %add3A, %div3A : vector<1000x64xf32>
    %get3A_23 = arith.constant 0 : index
    %get3A_24 = arith.constant 0 : index
    %get3A_25 = vector.load %arg3[%get3A_23, %get3A_24] : memref<1x64xf32, #tpu.memory_space<vmem>>, vector<1x64xf32>
    %add3A_26 = vector.broadcast %get3A_25 : vector<1x64xf32> to vector<1000x64xf32>
    %add3A_27 = arith.addf %div3A_22, %add3A_26 : vector<1000x64xf32>
    %max3A_28 = arith.constant 0.000000e+00 : f32
    %max3A_29 = vector.broadcast %max3A_28 : f32 to vector<1000x64xf32>
    %max3A_30 = arith.maximumf %add3A_27, %max3A_29 : vector<1000x64xf32>
    %get3A_31 = arith.constant 0 : index
    %get3A_32 = arith.constant 0 : index
    %get3A_33 = vector.load %arg4[%get3A_31, %get3A_32] : memref<64x64xf32, #tpu.memory_space<vmem>>, vector<64x64xf32>
    %dot_general3A = arith.constant dense<0.000000e+00> : vector<1000x64xf32>
    %dot_general3A_34 = tpu.matmul %max3A_30, %get3A_33, %dot_general3A {dimension_numbers = #tpu.dot_dimension_numbers<[1], [0], [0], [1], [0, 0, 1, 1], [], []>, transpose_lhs_hint = false} : vector<1000x64xf32>, vector<64x64xf32>, vector<1000x64xf32> -> vector<1000x64xf32>
    %get3A_35 = arith.constant 0 : index
    %get3A_36 = arith.constant 0 : index
    %get3A_37 = vector.load %arg5[%get3A_35, %get3A_36] : memref<1x64xf32, #tpu.memory_space<vmem>>, vector<1x64xf32>
    %add3A_38 = vector.broadcast %get3A_37 : vector<1x64xf32> to vector<1000x64xf32>
    %add3A_39 = arith.addf %dot_general3A_34, %add3A_38 : vector<1000x64xf32>
    %swap3A = arith.constant 0 : index
    %swap3A_40 = arith.constant 0 : index
    %swap3A_41 = vector.load %arg6[%swap3A, %swap3A_40] : memref<1000x64xf32, #tpu.memory_space<vmem>>, vector<1000x64xf32>
    tpu.vector_store %arg6[%swap3A, %swap3A_40], %add3A_39 {strides = array<i32>} : memref<1000x64xf32, #tpu.memory_space<vmem>>, vector<1000x64xf32>,
    return
  }
  func.func @transform_0(%arg0: i32) -> (i32, i32, i32) {
    %c0_i32 = arith.constant 0 : i32
    %c0_i32_0 = arith.constant 0 : i32
    %c0_i32_1 = arith.constant 0 : i32
    return %c0_i32, %arg0, %c0_i32_0 : i32, i32, i32
  }
  func.func @transform_1(%arg0: i32) -> (i32, i32, i32) {
    %c0_i32 = arith.constant 0 : i32
    %c0_i32_0 = arith.constant 0 : i32
    %c0_i32_1 = arith.constant 0 : i32
    return %c0_i32, %arg0, %c0_i32_0 : i32, i32, i32
  }
  func.func @transform_2(%arg0: i32) -> (i32, i32) {
    %c0_i32 = arith.constant 0 : i32
    %c0_i32_0 = arith.constant 0 : i32
    %c0_i32_1 = arith.constant 0 : i32
    return %c0_i32, %c0_i32_0 : i32, i32
  }
  func.func @transform_3(%arg0: i32) -> (i32, i32) {
    %c0_i32 = arith.constant 0 : i32
    %c0_i32_0 = arith.constant 0 : i32
    %c0_i32_1 = arith.constant 0 : i32
    return %c0_i32, %c0_i32_0 : i32, i32
  }
  func.func @transform_4(%arg0: i32) -> (i32, i32) {
    %c0_i32 = arith.constant 0 : i32
    %c0_i32_0 = arith.constant 0 : i32
    %c0_i32_1 = arith.constant 0 : i32
    return %c0_i32, %c0_i32_0 : i32, i32
  }
  func.func @transform_5(%arg0: i32) -> (i32, i32) {
    %c0_i32 = arith.constant 0 : i32
    %c0_i32_0 = arith.constant 0 : i32
    return %arg0, %c0_i32 : i32, i32
  }
}

</mosaic_0001>

<sc_bundles>
// kernel: kernel.10.cloned.1.call-start
scs
__scs_entry_jumppad:
0x0: {  	(pc) =	sbr.rel $0x88, $3  }
0x1: {  	(tag) =	ssettag $0x0;
	lr =	simm.s32 $0x1  }
0x2: {  	[smem:$0x3F99] =	sst lr;
	_ =	strace $0xD0000000  }
0x3: {  	_ = 	snop  }
0x4: {  	_ = 	snop  }
0x5: {  	_ = 	snop  }
0x6: {  	_ = 	snop  }
0x7: {  	_ = 	snop  }
__scs_overlays_trampoline_lowered:
0x8: {  	[smem:$0x3FA8] =	sst s0  }
0x9: {  	[smem:$0x3FA9] =	sst s1  }
0xa: {  	[smem:$0x3FAA] =	sst s2  }
0xb: {  	[smem:$0x3FAB] =	sst s3  }
0xc: {  	[smem:$0x3FAC] =	sst s4  }
0xd: {  	[smem:$0x3FAD] =	sst s5  }
0xe: {  	[smem:$0x3FAE] =	sst s6  }
0xf: {  	[smem:$0x3FAF] =	sst s7  }
0x10: {  	[smem:$0x3FB0] =	sst s8  }
0x11: {  	[smem:$0x3FB1] =	sst s9;
	s0 =	simm.s32 @!p0 $0x0  }
0x12: {  	s1 =	sld [smem:$0x3F97];
	s0 =	simm.s32 @p0 $0x1  }
0x13: {  	[smem:$0x3FB2] =	sst s0;
	s0 =	simm.s32 @!p1 $0x0  }
0x14: {  	s2 =	sld [smem:$0x3F96];
	s0 =	simm.s32 @p1 $0x1  }
0x15: {  	[smem:$0x3FB3] =	sst s0;
	s0 =	simm.s32 @!p2 $0x0  }
0x16: {  	s3 =	sld [smem:$0x3FDB];
	s0 =	simm.s32 @p2 $0x1  }
0x17: {  	s4 =	simm.s32 $0x1BF5;
	[smem:$0x3FB5] =	sst s0  }
0x18: {  	s0 =	sld [smem:$0x3F98];
	_ =	swait.ge [sflag:s4], $0x0  }
0x19: {  	s7 =	sld [smem:$0x3F99]  }
0x1a: {  	s8 =	sadd.s32 $0xFFFFE003, lr  }
0x1b: {  	s9 =	sadd.s32 $0xFFFFFEF7, lr;
	s5 =	simm.s32 $0xFFFFFFFF;
	p2 =	slt.u32 s8, $0xFFFFF086  }
0x1c: {  	p1 =	slt.u32 s9, $0xF7A;
	s5 =	simm.s32 @!p2 $0x0  }
0x1d: {  	s5 =	simm.s32 @p1 $0x1;
	p0 =	seq.s32 s7, s2  }
0x1e: {  	s7 =	smul.u32 @!p0 $0xF7A, s2;
	p2 =	seq.s32 @!p0 s5, $0x0  }
0x1f: {  	s9 =	smul.u32 $0xF7A, s1;
	s8 =	simm.s32 @!p0 $0x1BF5;
	p2 =	por !p2, p0  }
0x20: {  	[sflag:s8] =	ssyncset.s32 @!p0 $0xFFFFF086;
	s6 =	sadd.s32 @!p0 s3, s7;
	s7 =	simm.s32 @!p0 $0x108  }
0x21: {  	s3 =	sadd.s32 s3, s9;
	s6 =	sadd.s32 @!p0 $0x88, s6;
	s7 =	simm.s32 @p2 $0x1082  }
0x22: {  	[simem:s7], [sflag:s8] =	dma.local @!p0 [hbm:s6], $0xF7A  }
0x23: {  	s9 =	sor.u32 $0xD0000000, s2;
	s6 =	simm.s32 $0x108;
	_ =	swait.ge @!p0 [sflag:s8], $0x0  }
0x24: {  	s3 =	sadd.s32 $0x88, s3;
	s6 =	simm.s32 @!p1 $0x1082;
	[sflag:s4] =	ssyncset.s32 $0xFFFFF086  }
0x25: {  	[simem:s6], [sflag:s4] =	dma.local [hbm:s3], $0xF7A  }
0x26: {  	[smem:$0x3F99] =	sst s1;
	(tag) =	ssettag s2;
	_ =	strace s9  }
0x27: {  	s1 =	sld [smem:$0x3FA9]  }
0x28: {  	s2 =	sld [smem:$0x3FAA]  }
0x29: {  	s4 =	sld [smem:$0x3FAC]  }
0x2a: {  	p0 =	seq.s32 s5, $0x0;
	s5 =	sld [smem:$0x3FAD]  }
0x2b: {  	s6 =	sld [smem:$0x3FAE]  }
0x2c: {  	s7 =	sld [smem:$0x3FAF]  }
0x2d: {  	s3 =	simm.s32 $0x108;
	s8 =	sld [smem:$0x3FB0]  }
0x2e: {  	s3 =	simm.s32 @!p0 $0x1082;
	s9 =	sld [smem:$0x3FB1]  }
0x2f: {  	lr =	sadd.s32 s0, s3;
	s0 =	sld [smem:$0x3FA8]  }
0x30: {  	s3 =	sld [smem:$0x3FAB]  }
0x31: {  	[smem:$0x3FB4] =	sst s10  }
0x32: {  	s10 =	sld [smem:$0x3FB2];
	_ =	sdelay $0x3  }
0x33: {  	p0 =	seq.s32 s10, $0x1;
	s10 =	sld [smem:$0x3FB4];
	_ =	sdelay $0x3  }
0x34: {  	[smem:$0x3FB4] =	sst s10  }
0x35: {  	s10 =	sld [smem:$0x3FB3];
	_ =	sdelay $0x3  }
0x36: {  	p1 =	seq.s32 s10, $0x1;
	s10 =	sld [smem:$0x3FB4];
	_ =	sdelay $0x3  }
0x37: {  	[smem:$0x3FB4] =	sst s10  }
0x38: {  	s10 =	sld [smem:$0x3FB5]  }
0x39: {  	_ = 	snop;
	(pc) =	sbr.ind lr, $3  }
0x3a: {  	_ = 	snop  }
0x3b: {  	_ = 	snop  }
0x3c: {  	p2 =	seq.s32 s10, $0x1;
	s10 =	sld [smem:$0x3FB4]  }
0x3d: {  	_ =	shalt  }
0x3e: {  	_ =	shalt  }
0x3f: {  	_ =	shalt  }
0x40: {  	_ =	shalt  }
0x41: {  	_ =	shalt  }
0x42: {  	_ =	shalt  }
0x43: {  	_ =	shalt  }
0x44: {  	_ =	shalt  }
0x45: {  	_ =	shalt  }
0x46: {  	_ =	shalt  }
0x47: {  	_ =	shalt  }
0x48: {  	_ =	shalt  }
0x49: {  	_ =	shalt  }
0x4a: {  	_ =	shalt  }
0x4b: {  	_ =	shalt  }
0x4c: {  	_ =	shalt  }
0x4d: {  	_ =	shalt  }
0x4e: {  	_ =	shalt  }
0x4f: {  	_ =	shalt  }
0x50: {  	_ =	shalt  }
0x51: {  	_ =	shalt  }
0x52: {  	_ =	shalt  }
0x53: {  	_ =	shalt  }
0x54: {  	_ =	shalt  }
0x55: {  	_ =	shalt  }
0x56: {  	_ =	shalt  }
0x57: {  	_ =	shalt  }
0x58: {  	_ =	shalt  }
0x59: {  	_ =	shalt  }
0x5a: {  	_ =	shalt  }
0x5b: {  	_ =	shalt  }
0x5c: {  	_ =	shalt  }
0x5d: {  	_ =	shalt  }
0x5e: {  	_ =	shalt  }
0x5f: {  	_ =	shalt  }
0x60: {  	_ =	shalt  }
0x61: {  	_ =	shalt  }
0x62: {  	_ =	shalt  }
0x63: {  	_ =	shalt  }
0x64: {  	_ =	shalt  }
0x65: {  	_ =	shalt  }
0x66: {  	_ =	shalt  }
0x67: {  	_ =	shalt  }
0x68: {  	_ =	shalt  }
0x69: {  	_ =	shalt  }
0x6a: {  	_ =	shalt  }
0x6b: {  	_ =	shalt  }
0x6c: {  	_ =	shalt  }
0x6d: {  	_ =	shalt  }
0x6e: {  	_ =	shalt  }
0x6f: {  	_ =	shalt  }
0x70: {  	_ =	shalt  }
0x71: {  	_ =	shalt  }
0x72: {  	_ =	shalt  }
0x73: {  	_ =	shalt  }
0x74: {  	_ =	shalt  }
0x75: {  	_ =	shalt  }
0x76: {  	_ =	shalt  }
0x77: {  	_ =	shalt  }
0x78: {  	_ =	shalt  }
0x79: {  	_ =	shalt  }
0x7a: {  	_ =	shalt  }
0x7b: {  	_ =	shalt  }
0x7c: {  	_ =	shalt  }
0x7d: {  	_ =	shalt  }
0x7e: {  	_ =	shalt  }
0x7f: {  	_ =	shalt  }
0x80: {  	_ =	shalt  }
0x81: {  	_ =	shalt  }
0x82: {  	_ =	shalt  }
0x83: {  	_ =	shalt  }
0x84: {  	_ =	shalt  }
0x85: {  	_ =	shalt  }
0x86: {  	_ =	shalt  }
0x87: {  	_ =	shalt  }
.Lfunc_end0:
.L_simem_size_0:
called_computation.1_lowered:
.L_overlay_start_0:
0x88: {  	s2 =	sld [smem:$0x3FD9]  }
0x89: {  	s3 =	sld [smem:$0x3FFE];
	_ =	sdelay $0x1  }
0x8a: {  	s1 =	srdreg.scid  }
0x8b: {  	s0 =	sand.u32 $0x1, s1  }
0x8c: {  	s17 =	sshll.u32 s0, $0xA;
	s2 =	sadd.s32 s3, s2  }
0x8d: {  	s2 =	sadd.s32 s2, s17  }
0x8e: {  	[smem:$0x3FC0] =	sst s2  }
0x8f: {  	_ = 	snop  }
0x90: {  	s2 =	sld [smem:$0x3FD0];
	(tm) =	ssettm $0x1  }
0x91: {  	s18 =	sld [smem:$0x3FFB];
	_ =	sdelay $0x3  }
0x92: {  	_ =	strace s18  }
0x93: {  	s3 =	sld [smem:$0x3FFC];
	_ =	sdelay $0x3  }
0x94: {  	_ =	strace s3  }
0x95: {  	s3 =	sld [smem:$0x3FFD];
	_ =	sdelay $0x3  }
0x96: {  	_ =	strace s3  }
0x97: {  	_ =	strace $0x8FFFFFFF  }
0x98: {  	s19 =	sld [smem:$0x3FDB];
	_ =	sdelay $0x1  }
0x99: {  	s4 =	simm.s32 $_scs_section_size  }
0x9a: {  	s5 =	simm.s32 $_size__tile_overlayer_lowered;
	s6 =	simm.s32 $_tile_overlayer_lowered  }
0x9b: {  	s22 =	simm.s32 $0x1BFF;
	s21 =	sshll.u32 s6, $0x1;
	s3 =	sadd.s32 s4, s19  }
0x9c: {  	s7 =	simm.s32 $0x0;
	s20 =	sshll.u32 s5, $0x1;
	s5 =	sadd.s32 s21, s3  }
0x9d: {  	[timem:s7], [sflag:s22] =	dma.local [hbm:s5], s20  }
0x9e: {  	_ =	swait.ge [sflag:s22], s20  }
0x9f: {  	s4 =	ssub.s32 $0x0, s20;
	[sflag:s22] =	ssyncset.done $0x0  }
0xa0: {  	[sflag:s22] =	ssyncadd.s32 s4;
	_ =	sdelay $0x1  }
0xa1: {  	s23 =	simm.s32 $0x1B8B  }
0xa2: {  	_ =	swait.ge [sflag:s23], $0x1  }
0xa3: {  	[sflag:s23] =	ssyncset.done $0x0  }
0xa4: {  	s25 =	simm.s32 $0x1B8E;
	s24 =	sld [smem:$0x3FFE];
	[sflag:s23] =	ssyncadd.s32 $0xFFFFFFFF  }
0xa5: {  	s26 =	simm.s32 $execute0_lowered;
	[smem:$0x3FD2] =	sst s25  }
0xa6: {  	s5 =	sshll.u32 s26, $0x1;
	_ =	strace $0x80000046;
	[dreg:$0x1] =	wrdreg $0xFFFFFFFF  }
0xa7: {  	s28 =	simm.s32 $_size_execute0_lowered;
	s3 =	sadd.s32 s3, s5;
	[dreg:$0x0] =	wrdreg $0x0  }
0xa8: {  	s5 =	sshll.u32 s28, $0x1;
	[dreg:$0x2] =	wrdreg s3  }
0xa9: {  	[dreg:$0x3] =	wrdreg s5  }
0xaa: {  	[dreg:$0x4] =	wrdreg $0xC0  }
0xab: {  	_ =	task [dreg:s7], $0x5FFFF  }
0xac: {  	[dreg:$0x1] =	wrdreg $0xFFFFFFFF  }
0xad: {  	[dreg:$0x0] =	wrdreg $0x60  }
0xae: {  	[dreg:$0x2] =	wrdreg s24  }
0xaf: {  	[dreg:$0x3] =	wrdreg s2  }
0xb0: {  	[dreg:$0x4] =	wrdreg $0xA2800  }
0xb1: {  	[dreg:$0x5] =	wrdreg $0xA  }
0xb2: {  	_ =	task.clear_ibuf [dreg:s7], $0x6FFFF;
	_ =	strace $0x90000046  }
0xb3: {  	s29 =	simm.s32 $0xA;
	_ =	strace $0x80000048  }
0xb4: {  	_ =	swait.ge [sflag:s29], $0x1  }
0xb5: {  	[sflag:s29] =	ssyncadd.s32 $0xFFFFFFFF  }
0xb6: {  	_ =	strace $0x90000048  }
0xb7: {  	_ =	sfence  }
0xb8: {  	s30 =	sld [smem:$0x0];
	_ =	sdelay $0x2  }
0xb9: {  	s31 =	sshll.u32 s1, $0xD;
	s1 =	sshrl.u32 s1, $0x2  }
0xba: {  	s3 =	sand.u32 $0x4000, s31;
	s1 =	sadd.s32 s1, s30  }
0xbb: {  	s0 =	sor.u32 s3, s0;
	s1 =	sshll.u32 s1, $0x11  }
0xbc: {  	s0 =	sor.u32 s1, s0  }
0xbd: {  	s0 =	sadd.s32 $0x8F2B, s0  }
0xbe: {  	[sflag:s0] =	ssyncadd.remote.s32 $0x1  }
0xbf: {  	_ =	sfence.sel $0xFFFF  }
0xc0: {  	[dreg:$0x0] =	wrdreg $0xFFFFFFFF;
	(pc) =	sbr.abs _section_cstart, $3  }
0xc1: {  	[dreg:$0x1] =	wrdreg $0xFFFFFFFF  }
0xc2: {  	_ =	task.clear_ibuf [dreg:s7], $0x2FFFF;
	_ =	strace $0x9FFFFFFF  }
0xc3: {  	(tm) =	ssettm $0x7FFFFFFF  }
tec
execute0_lowered:
.L_overlay_start_1:
0x0: {  	(tag) =	ssettag $0x1  }
0x1: {  	s0 =	rddreg [dreg:$0x0]  }
0x2: {  	s7 =	rddreg [dreg:$0x1]  }
0x3: {  	s1 =	rddreg [dreg:$0x2];
	s3 =	srdreg.scid;
	s2 =	simm.s32 $0x0  }
0x4: {  	s30 =	stileid.u32;
	s16 =	simm.s32 $0x64;
	s17 =	simm.s32 $0x14280  }
0x5: {  	s18 =	simm.s32 $0x68;
	s19 =	simm.s32 $0x15B80;
	s20 =	simm.s32 $0xD0  }
0x6: {  	s21 =	simm.s32 $0x17480;
	s22 =	simm.s32 $0x138;
	s23 =	simm.s32 $0x18D80  }
0x7: {  	s25 =	simm.s32 $0x1A0;
	s26 =	simm.s32 $0x1A680;
	s10 =	smul.u32 $0x5140, s30  }
0x8: {  	s28 =	simm.s32 $0x1BF80;
	s29 =	simm.s32 $0x0;
	s12 =	smul.u32 $0xA28, s30  }
0x9: {  	s4 =	sand.u32 $0x1, s3;
	[smem:$0x7FF] =	sst s2;
	s13 =	smul.u32 $0xA000, s30  }
0xa: {  	s8 =	sadd.s32 $0x1C00, s0;
	s14 =	sshll.u32 s30, $0x6;
	s3 =	smul.u32 $0x13880, s4  }
0xb: {  	_ =	strace $0x80000047;
	s5 =	smul.u32 $0x14000, s4;
	s6 =	ssub.s32 $0x2, s4  }
0xc: {  	s4 =	sadd.s32 $0x33200, s0;
	s14 =	sor.u32 $0x1C0D, s14;
	s11 =	sshrl.u32 s6, $0x1  }
0xd: {  	s31 =	sshrl.u32 s10, $0x3;
	s15 =	sadd.s32 s13, s1;
	s24 =	sshrl.u32 s13, $0x3  }
.Ltmp0:
0xe: {  	s9 =	sadd.s32 s3, s0;
	s0 =	sadd.s32 s5, s0;
	(pc) =	sbr.rel .LBB2_1-.Ltmp0, $4  }
0xf: {  	s11 =	ssub.s32 s6, s11;
	s5 =	sadd.s32 s7, s12;
	s10 =	sadd.s32 $0x514, s31  }
0x10: {  	s6 =	sadd.s32 s8, s12;
	s15 =	sshrl.u32 s15, $0x3;
	s7 =	sadd.s32 s7, s10  }
0x11: {  	s8 =	sadd.s32 s8, s10;
	s9 =	sadd.s32 $0xC000, s9;
	s0 =	sadd.s32 $0x34600, s0  }
0x12: {  	s10 =	smax.u32 s11, $0x1;
	s11 =	simm.s32 $0xD;
	s24 =	sadd.s32 s24, s0  }
.LBB2_5:
0x13: {  	s29 =	sadd.s32 $0x1, s29  }
0x14: {  	p0 =	sne.s32 s29, s10  }
.Ltmp1:
0x15: {  	[bflag:$0x0] =	sbarrier.arrive $0xFFFF;
	(pc) =	sbr.rel @!p0 .LBB2_6-.Ltmp1, $4  }
0x16: {  	[hbm:s24], [sflag:s14] =	dma.local [spmem:s15], $0x1400  }
0x17: {  	_ =	swait.ge [sflag:s11], $0x1400  }
0x18: {  	[sflag:s11] =	ssyncset.done $0x0  }
0x19: {  	[sflag:s11] =	ssyncadd.s32 $0xFFFFEC00  }
.LBB2_1:
0x1a: {  	[tilespmem:s2], [sflag:$0xD] =	stream.linear.gather [hbm4b:s5+s2], $0x28A0, $0x38;
	[tilespmem:$0x1D880] =	vst v63  }
0x1b: {  	_ =	swait.ge [sflag:s11], $0x28A0  }
0x1c: {  	[sflag:s11] =	ssyncset.done $0x0  }
0x1d: {  	s30 =	simm.s32 $0x5140;
	[sflag:s11] =	ssyncadd.s32 $0xFFFFD760  }
0x1e: {  	[tilespmem:s30], [sflag:$0xD] =	stream.linear.gather [hbm4b:s6+s2], $0x28A0, $0x38;
	[tilespmem:$0x1D880] =	vst v63  }
0x1f: {  	_ =	swait.ge [sflag:s11], $0x28A0  }
0x20: {  	[sflag:s11] =	ssyncset.done $0x0  }
0x21: {  	s0 =	simm.s32 $0x28A0;
	[sflag:s11] =	ssyncadd.s32 $0xFFFFD760  }
0x22: {  	[tilespmem:s0], [sflag:$0xD] =	stream.linear.gather [hbm4b:s7+s2], $0x28A0, $0x38;
	[tilespmem:$0x1D880] =	vst v63  }
0x23: {  	_ =	swait.ge [sflag:s11], $0x28A0  }
0x24: {  	[sflag:s11] =	ssyncset.done $0x0  }
0x25: {  	s13 =	simm.s32 $0x79E0;
	[sflag:s11] =	ssyncadd.s32 $0xFFFFD760  }
0x26: {  	[tilespmem:s13], [sflag:$0xD] =	stream.linear.gather [hbm4b:s8+s2], $0x28A0, $0x38;
	[tilespmem:$0x1D880] =	vst v63  }
0x27: {  	_ =	swait.ge [sflag:s11], $0x28A0  }
0x28: {  	[sflag:s11] =	ssyncset.done $0x0  }
0x29: {  	[sflag:s11] =	ssyncadd.s32 $0xFFFFD760  }
0x2a: {  	[spmem:s15], [sflag:s14] =	dma.local [hbm:s4], $0x1400  }
0x2b: {  	_ =	swait.ge [sflag:s11], $0x1400  }
0x2c: {  	[sflag:s11] =	ssyncset.done $0x0  }
0x2d: {  	[sflag:s11] =	ssyncadd.s32 $0xFFFFEC00  }
0x2e: {  	[bflag:$0x0] =	sbarrier.arrive $0xFFFF  }
0x2f: {  	[tilespmem:s17], [sflag:$0x1] =	stream.indirect.gather [hbm4b:s9+s16], $0x40, s2, s16, $0xb8;
	[tilespmem:$0x1D880] =	vst v63  }
0x30: {  	_ = 	snop  }
0x31: {  	[tilespmem:s19], [sflag:$0x2] =	stream.indirect.gather [hbm4b:s9+s16], $0x40, s18, s16, $0xb8;
	[tilespmem:$0x1D880] =	vst v63  }
0x32: {  	_ = 	snop  }
0x33: {  	[tilespmem:s21], [sflag:$0x3] =	stream.indirect.gather [hbm4b:s9+s16], $0x40, s20, s16, $0xb8;
	[tilespmem:$0x1D880] =	vst v63  }
0x34: {  	_ = 	snop  }
0x35: {  	[tilespmem:s23], [sflag:$0x4] =	stream.indirect.gather [hbm4b:s9+s16], $0x40, s22, s16, $0xb8;
	[tilespmem:$0x1D880] =	vst v63  }
.Ltmp2:
0x36: {  	_ = 	snop;
	(pc) =	sbr.rel .LBB2_2-.Ltmp2, $4  }
0x37: {  	_ = 	snop  }
0x38: {  	[tilespmem:s26], [sflag:$0x5] =	stream.indirect.gather [hbm4b:s9+s16], $0x40, s25, s16, $0xb8;
	[tilespmem:$0x1D880] =	vst v63  }
0x39: {  	s31 =	simm.s32 $0x208;
	s0 =	simm.s32 $0x0  }
0x3a: {  	[tilespmem:s28], [sflag:$0x6] =	stream.indirect.gather [hbm4b:s9+s16], $0x40, s31, s16, $0xb8;
	[tilespmem:$0x1D880] =	vst v63  }
.LBB2_4:
0x3b: {  	s0 =	sadd.s32 $0x1, s0  }
0x3c: {  	p0 =	sne.s32 s0, $0xC9  }
.Ltmp3:
0x3d: {  	_ = 	snop;
	(pc) =	sbr.rel @!p0 .LBB2_5-.Ltmp3, $2  }
0x3e: {  	_ =	sdelay $0x2  }
0x3f: {  	s31 =	sadd.s32 $0x68, s31;
	s30 =	sadd.s32 $0x68, s30  }
.LBB2_2:
0x40: {  	p0 =	seq.s32 s0, $0xC8  }
0x41: {  	s3 =	smul.u32 @!p0 $0xAB, s0;
	_ =	sdelay $0x1  }
0x42: {  	s3 =	sshrl.u32 @!p0 s3, $0xA  }
0x43: {  	s3 =	sand.u32 @!p0 $0x3F, s3  }
0x44: {  	s3 =	smul.u32 @!p0 $0x6, s3;
	_ =	sdelay $0x1  }
0x45: {  	s3 =	ssub.s32 @!p0 s0, s3  }
0x46: {  	p1 =	seq.s32 @!p0 s0, $0x0;
	s3 =	sand.u32 @!p0 $0xFF, s3  }
0x47: {  	p1 =	por p0, !p1;
	s12 =	smul.u32 @!p0 $0x6400, s3  }
.Ltmp4:
0x48: {  	s13 =	sadd.s32 @!p0 $0x1, s3;
	(pc) =	sbr.rel @!p1 .LBB2_4-.Ltmp4, $4  }
0x49: {  	_ =	swait.ge @!p0 [sflag:s13], $0x1900  }
0x4a: {  	s3 =	sadd.s32 @!p0 $0x7, s3;
	s12 =	sshrl.u32 @!p0 s12, $0x2;
	[sflag:s13] =	ssyncset.done @!p0 $0x0  }
0x4b: {  	s12 =	sadd.s32 @!p0 $0x14280, s12;
	[sflag:s13] =	ssyncadd.s32 @!p0 $0xFFFFE700;
	s13 =	simm.s32 @!p0 $0x64  }
0x4c: {  	[spmem:s1] =	stream.indirect.scatter.add.f32 @!p0 [tilespmem:s12], [sflag:s3], $0x40, s30, s13, $0xb8;
	[tilespmem:$0x1D880] =	vst v63  }
0x4d: {  	s3 =	smov.u32 s0  }
0x4e: {  	s3 =	simm.s32 @p0 $0xC8  }
0x4f: {  	s3 =	sadd.s32 $0xFFFFFFFF, s3  }
0x50: {  	s12 =	sand.u32 $0xFF, s3  }
0x51: {  	s12 =	smul.u32 $0xAB, s12;
	_ =	sdelay $0x1  }
0x52: {  	s12 =	sshrl.u32 s12, $0xA  }
0x53: {  	s12 =	smul.u32 $0x6, s12;
	_ =	sdelay $0x1  }
0x54: {  	s3 =	ssub.s32 s3, s12  }
0x55: {  	p0 =	sgt.u32 s0, $0xC2;
	s3 =	sand.u32 $0xFF, s3  }
0x56: {  	s12 =	sadd.s32 $0x7, s3;
	s13 =	smul.u32 @!p0 $0x6400, s3  }
.Ltmp5:
0x57: {  	_ =	swait.ge [sflag:s12], $0x1900;
	(pc) =	sbr.rel .LBB2_4-.Ltmp5, $4  }
0x58: {  	[sflag:s12] =	ssyncset.done $0x0  }
0x59: {  	[sflag:s12] =	ssyncadd.s32 $0xFFFFE700;
	s12 =	sshrl.u32 @!p0 s13, $0x2  }
0x5a: {  	s3 =	sadd.s32 @!p0 $0x1, s3;
	s13 =	simm.s32 @!p0 $0x64;
	s12 =	sadd.s32 @!p0 $0x14280, s12  }
0x5b: {  	[tilespmem:s12], [sflag:s3] =	stream.indirect.gather @!p0 [hbm4b:s9+s13], $0x40, s31, s13, $0xb8;
	[tilespmem:$0x1D880] =	vst v63  }
.LBB2_6:
0x5c: {  	_ =	sfence.sel $0x180000  }
0x5d: {  	[bflag:$0x0] =	sbarrier.arrive $0xFFFF  }
0x5e: {  	_ =	strace $0x90000047  }
0x5f: {  	s0 =	stileid.u32;
	[bflag:$0x2] =	sbarrier.arrive $0xFFFF  }
0x60: {  	p0 =	sne.s32 s0, $0x0;
	s0 =	rddreg [dreg:$0x3]  }
0x61: {  	s0 =	sadd.s32 @!p0 $0x100000, s0  }
0x62: {  	[sflag:s0] =	ssyncadd.tile.s32 @!p0 $0x1;
	_ =	shalt  }
.Lfunc_end2:
_tile_overlayer_lowered:
.L_overlay_start_2:
0x63: {  	(tag) =	ssettag $0x2  }
0x64: {  	s0 =	rddreg [dreg:$0x0];
	s2 =	stileid.u32  }
0x65: {  	s1 =	rddreg [dreg:$0x1];
	p0 =	sne.s32 s2, $0x0  }
0x66: {  	s3 =	rddreg [dreg:$0x2];
	[bflag:$0x3] =	sbarrier.arrive $0xFFFF;
	s2 =	simm.s32 @!p0 $0x1C0D  }
0x67: {  	[timem:s3], [sflag:s2] =	dma.local @!p0 [hbm:s0], s1  }
0x68: {  	s0 =	simm.s32 @!p0 $0xD  }
0x69: {  	_ =	swait.ge @!p0 [sflag:s0], s1  }
0x6a: {  	s1 =	ssub.s32 @!p0 $0x0, s1;
	[sflag:s0] =	ssyncset.done @!p0 $0x0  }
0x6b: {  	[sflag:s0] =	ssyncadd.s32 @!p0 s1  }
0x6c: {  	[bflag:$0x3] =	sbarrier.arrive $0xFFFF  }
0x6d: {  	_ =	shalt  }

// kernel: kernel.13.cloned.1.call-start
scs
__scs_entry_jumppad:
0x0: {  	(pc) =	sbr.rel $0x88, $3  }
0x1: {  	(tag) =	ssettag $0x0;
	lr =	simm.s32 $0x1  }
0x2: {  	[smem:$0x3F99] =	sst lr;
	_ =	strace $0xD0000000  }
0x3: {  	_ = 	snop  }
0x4: {  	_ = 	snop  }
0x5: {  	_ = 	snop  }
0x6: {  	_ = 	snop  }
0x7: {  	_ = 	snop  }
__scs_overlays_trampoline_lowered:
0x8: {  	[smem:$0x3FA8] =	sst s0  }
0x9: {  	[smem:$0x3FA9] =	sst s1  }
0xa: {  	[smem:$0x3FAA] =	sst s2  }
0xb: {  	[smem:$0x3FAB] =	sst s3  }
0xc: {  	[smem:$0x3FAC] =	sst s4  }
0xd: {  	[smem:$0x3FAD] =	sst s5  }
0xe: {  	[smem:$0x3FAE] =	sst s6  }
0xf: {  	[smem:$0x3FAF] =	sst s7  }
0x10: {  	[smem:$0x3FB0] =	sst s8  }
0x11: {  	[smem:$0x3FB1] =	sst s9;
	s0 =	simm.s32 @!p0 $0x0  }
0x12: {  	s1 =	sld [smem:$0x3F97];
	s0 =	simm.s32 @p0 $0x1  }
0x13: {  	[smem:$0x3FB2] =	sst s0;
	s0 =	simm.s32 @!p1 $0x0  }
0x14: {  	s2 =	sld [smem:$0x3F96];
	s0 =	simm.s32 @p1 $0x1  }
0x15: {  	[smem:$0x3FB3] =	sst s0;
	s0 =	simm.s32 @!p2 $0x0  }
0x16: {  	s3 =	sld [smem:$0x3FDB];
	s0 =	simm.s32 @p2 $0x1  }
0x17: {  	s4 =	simm.s32 $0x1BF5;
	[smem:$0x3FB5] =	sst s0  }
0x18: {  	s0 =	sld [smem:$0x3F98];
	_ =	swait.ge [sflag:s4], $0x0  }
0x19: {  	s7 =	sld [smem:$0x3F99]  }
0x1a: {  	s8 =	sadd.s32 $0xFFFFE003, lr  }
0x1b: {  	s9 =	sadd.s32 $0xFFFFFEF7, lr;
	s5 =	simm.s32 $0xFFFFFFFF;
	p2 =	slt.u32 s8, $0xFFFFF086  }
0x1c: {  	p1 =	slt.u32 s9, $0xF7A;
	s5 =	simm.s32 @!p2 $0x0  }
0x1d: {  	s5 =	simm.s32 @p1 $0x1;
	p0 =	seq.s32 s7, s2  }
0x1e: {  	s7 =	smul.u32 @!p0 $0xF7A, s2;
	p2 =	seq.s32 @!p0 s5, $0x0  }
0x1f: {  	s9 =	smul.u32 $0xF7A, s1;
	s8 =	simm.s32 @!p0 $0x1BF5;
	p2 =	por !p2, p0  }
0x20: {  	[sflag:s8] =	ssyncset.s32 @!p0 $0xFFFFF086;
	s6 =	sadd.s32 @!p0 s3, s7;
	s7 =	simm.s32 @!p0 $0x108  }
0x21: {  	s3 =	sadd.s32 s3, s9;
	s6 =	sadd.s32 @!p0 $0x88, s6;
	s7 =	simm.s32 @p2 $0x1082  }
0x22: {  	[simem:s7], [sflag:s8] =	dma.local @!p0 [hbm:s6], $0xF7A  }
0x23: {  	s9 =	sor.u32 $0xD0000000, s2;
	s6 =	simm.s32 $0x108;
	_ =	swait.ge @!p0 [sflag:s8], $0x0  }
0x24: {  	s3 =	sadd.s32 $0x88, s3;
	s6 =	simm.s32 @!p1 $0x1082;
	[sflag:s4] =	ssyncset.s32 $0xFFFFF086  }
0x25: {  	[simem:s6], [sflag:s4] =	dma.local [hbm:s3], $0xF7A  }
0x26: {  	[smem:$0x3F99] =	sst s1;
	(tag) =	ssettag s2;
	_ =	strace s9  }
0x27: {  	s1 =	sld [smem:$0x3FA9]  }
0x28: {  	s2 =	sld [smem:$0x3FAA]  }
0x29: {  	s4 =	sld [smem:$0x3FAC]  }
0x2a: {  	p0 =	seq.s32 s5, $0x0;
	s5 =	sld [smem:$0x3FAD]  }
0x2b: {  	s6 =	sld [smem:$0x3FAE]  }
0x2c: {  	s7 =	sld [smem:$0x3FAF]  }
0x2d: {  	s3 =	simm.s32 $0x108;
	s8 =	sld [smem:$0x3FB0]  }
0x2e: {  	s3 =	simm.s32 @!p0 $0x1082;
	s9 =	sld [smem:$0x3FB1]  }
0x2f: {  	lr =	sadd.s32 s0, s3;
	s0 =	sld [smem:$0x3FA8]  }
0x30: {  	s3 =	sld [smem:$0x3FAB]  }
0x31: {  	[smem:$0x3FB4] =	sst s10  }
0x32: {  	s10 =	sld [smem:$0x3FB2];
	_ =	sdelay $0x3  }
0x33: {  	p0 =	seq.s32 s10, $0x1;
	s10 =	sld [smem:$0x3FB4];
	_ =	sdelay $0x3  }
0x34: {  	[smem:$0x3FB4] =	sst s10  }
0x35: {  	s10 =	sld [smem:$0x3FB3];
	_ =	sdelay $0x3  }
0x36: {  	p1 =	seq.s32 s10, $0x1;
	s10 =	sld [smem:$0x3FB4];
	_ =	sdelay $0x3  }
0x37: {  	[smem:$0x3FB4] =	sst s10  }
0x38: {  	s10 =	sld [smem:$0x3FB5]  }
0x39: {  	_ = 	snop;
	(pc) =	sbr.ind lr, $3  }
0x3a: {  	_ = 	snop  }
0x3b: {  	_ = 	snop  }
0x3c: {  	p2 =	seq.s32 s10, $0x1;
	s10 =	sld [smem:$0x3FB4]  }
0x3d: {  	_ =	shalt  }
0x3e: {  	_ =	shalt  }
0x3f: {  	_ =	shalt  }
0x40: {  	_ =	shalt  }
0x41: {  	_ =	shalt  }
0x42: {  	_ =	shalt  }
0x43: {  	_ =	shalt  }
0x44: {  	_ =	shalt  }
0x45: {  	_ =	shalt  }
0x46: {  	_ =	shalt  }
0x47: {  	_ =	shalt  }
0x48: {  	_ =	shalt  }
0x49: {  	_ =	shalt  }
0x4a: {  	_ =	shalt  }
0x4b: {  	_ =	shalt  }
0x4c: {  	_ =	shalt  }
0x4d: {  	_ =	shalt  }
0x4e: {  	_ =	shalt  }
0x4f: {  	_ =	shalt  }
0x50: {  	_ =	shalt  }
0x51: {  	_ =	shalt  }
0x52: {  	_ =	shalt  }
0x53: {  	_ =	shalt  }
0x54: {  	_ =	shalt  }
0x55: {  	_ =	shalt  }
0x56: {  	_ =	shalt  }
0x57: {  	_ =	shalt  }
0x58: {  	_ =	shalt  }
0x59: {  	_ =	shalt  }
0x5a: {  	_ =	shalt  }
0x5b: {  	_ =	shalt  }
0x5c: {  	_ =	shalt  }
0x5d: {  	_ =	shalt  }
0x5e: {  	_ =	shalt  }
0x5f: {  	_ =	shalt  }
0x60: {  	_ =	shalt  }
0x61: {  	_ =	shalt  }
0x62: {  	_ =	shalt  }
0x63: {  	_ =	shalt  }
0x64: {  	_ =	shalt  }
0x65: {  	_ =	shalt  }
0x66: {  	_ =	shalt  }
0x67: {  	_ =	shalt  }
0x68: {  	_ =	shalt  }
0x69: {  	_ =	shalt  }
0x6a: {  	_ =	shalt  }
0x6b: {  	_ =	shalt  }
0x6c: {  	_ =	shalt  }
0x6d: {  	_ =	shalt  }
0x6e: {  	_ =	shalt  }
0x6f: {  	_ =	shalt  }
0x70: {  	_ =	shalt  }
0x71: {  	_ =	shalt  }
0x72: {  	_ =	shalt  }
0x73: {  	_ =	shalt  }
0x74: {  	_ =	shalt  }
0x75: {  	_ =	shalt  }
0x76: {  	_ =	shalt  }
0x77: {  	_ =	shalt  }
0x78: {  	_ =	shalt  }
0x79: {  	_ =	shalt  }
0x7a: {  	_ =	shalt  }
0x7b: {  	_ =	shalt  }
0x7c: {  	_ =	shalt  }
0x7d: {  	_ =	shalt  }
0x7e: {  	_ =	shalt  }
0x7f: {  	_ =	shalt  }
0x80: {  	_ =	shalt  }
0x81: {  	_ =	shalt  }
0x82: {  	_ =	shalt  }
0x83: {  	_ =	shalt  }
0x84: {  	_ =	shalt  }
0x85: {  	_ =	shalt  }
0x86: {  	_ =	shalt  }
0x87: {  	_ =	shalt  }
.Lfunc_end0:
.L_simem_size_0:
called_computation.2_lowered:
.L_overlay_start_0:
0x88: {  	s2 =	sld [smem:$0x3FD9]  }
0x89: {  	s3 =	sld [smem:$0x3FFE];
	_ =	sdelay $0x1  }
0x8a: {  	s1 =	srdreg.scid  }
0x8b: {  	s0 =	sand.u32 $0x1, s1  }
0x8c: {  	s17 =	sshll.u32 s0, $0xA;
	s2 =	sadd.s32 s3, s2  }
0x8d: {  	s2 =	sadd.s32 s2, s17  }
0x8e: {  	[smem:$0x3FC0] =	sst s2  }
0x8f: {  	_ = 	snop  }
0x90: {  	s2 =	sld [smem:$0x3FD0];
	(tm) =	ssettm $0x1  }
0x91: {  	s18 =	sld [smem:$0x3FFB];
	_ =	sdelay $0x3  }
0x92: {  	_ =	strace s18  }
0x93: {  	s3 =	sld [smem:$0x3FFC];
	_ =	sdelay $0x3  }
0x94: {  	_ =	strace s3  }
0x95: {  	s3 =	sld [smem:$0x3FFD];
	_ =	sdelay $0x3  }
0x96: {  	_ =	strace s3  }
0x97: {  	_ =	strace $0x8FFFFFFF  }
0x98: {  	s19 =	sld [smem:$0x3FDB];
	_ =	sdelay $0x1  }
0x99: {  	s4 =	simm.s32 $_scs_section_size  }
0x9a: {  	s5 =	simm.s32 $_size__tile_overlayer_lowered;
	s6 =	simm.s32 $_tile_overlayer_lowered  }
0x9b: {  	s22 =	simm.s32 $0x1BFF;
	s21 =	sshll.u32 s6, $0x1;
	s3 =	sadd.s32 s4, s19  }
0x9c: {  	s7 =	simm.s32 $0x0;
	s20 =	sshll.u32 s5, $0x1;
	s5 =	sadd.s32 s21, s3  }
0x9d: {  	[timem:s7], [sflag:s22] =	dma.local [hbm:s5], s20  }
0x9e: {  	_ =	swait.ge [sflag:s22], s20  }
0x9f: {  	s4 =	ssub.s32 $0x0, s20;
	[sflag:s22] =	ssyncset.done $0x0  }
0xa0: {  	[sflag:s22] =	ssyncadd.s32 s4;
	_ =	sdelay $0x1  }
0xa1: {  	s23 =	simm.s32 $0x1B8B  }
0xa2: {  	_ =	swait.ge [sflag:s23], $0x1  }
0xa3: {  	[sflag:s23] =	ssyncset.done $0x0  }
0xa4: {  	s25 =	simm.s32 $0x1B8E;
	s24 =	sld [smem:$0x3FFE];
	[sflag:s23] =	ssyncadd.s32 $0xFFFFFFFF  }
0xa5: {  	s26 =	simm.s32 $execute0_lowered;
	[smem:$0x3FD2] =	sst s25  }
0xa6: {  	s5 =	sshll.u32 s26, $0x1;
	_ =	strace $0x8000004C;
	[dreg:$0x1] =	wrdreg $0xFFFFFFFF  }
0xa7: {  	s28 =	simm.s32 $_size_execute0_lowered;
	s3 =	sadd.s32 s3, s5;
	[dreg:$0x0] =	wrdreg $0x0  }
0xa8: {  	s5 =	sshll.u32 s28, $0x1;
	[dreg:$0x2] =	wrdreg s3  }
0xa9: {  	[dreg:$0x3] =	wrdreg s5  }
0xaa: {  	[dreg:$0x4] =	wrdreg $0xC0  }
0xab: {  	_ =	task [dreg:s7], $0x5FFFF  }
0xac: {  	[dreg:$0x1] =	wrdreg $0xFFFFFFFF  }
0xad: {  	[dreg:$0x0] =	wrdreg $0x60  }
0xae: {  	[dreg:$0x2] =	wrdreg s24  }
0xaf: {  	[dreg:$0x3] =	wrdreg s2  }
0xb0: {  	[dreg:$0x4] =	wrdreg $0x51400  }
0xb1: {  	[dreg:$0x5] =	wrdreg $0x9  }
0xb2: {  	_ =	task.clear_ibuf [dreg:s7], $0x6FFFF;
	_ =	strace $0x9000004C  }
0xb3: {  	s29 =	simm.s32 $0x9;
	_ =	strace $0x8000004E  }
0xb4: {  	_ =	swait.ge [sflag:s29], $0x1  }
0xb5: {  	[sflag:s29] =	ssyncadd.s32 $0xFFFFFFFF  }
0xb6: {  	_ =	strace $0x9000004E  }
0xb7: {  	_ =	sfence  }
0xb8: {  	s30 =	sld [smem:$0x0];
	_ =	sdelay $0x2  }
0xb9: {  	s31 =	sshll.u32 s1, $0xD;
	s1 =	sshrl.u32 s1, $0x2  }
0xba: {  	s3 =	sand.u32 $0x4000, s31;
	s1 =	sadd.s32 s1, s30  }
0xbb: {  	s0 =	sor.u32 s3, s0;
	s1 =	sshll.u32 s1, $0x11  }
0xbc: {  	s0 =	sor.u32 s1, s0  }
0xbd: {  	s0 =	sadd.s32 $0x8F2B, s0  }
0xbe: {  	[sflag:s0] =	ssyncadd.remote.s32 $0x1  }
0xbf: {  	_ =	sfence.sel $0xFFFF  }
0xc0: {  	[dreg:$0x0] =	wrdreg $0xFFFFFFFF;
	(pc) =	sbr.abs _section_cstart, $3  }
0xc1: {  	[dreg:$0x1] =	wrdreg $0xFFFFFFFF  }
0xc2: {  	_ =	task.clear_ibuf [dreg:s7], $0x2FFFF;
	_ =	strace $0x9FFFFFFF  }
0xc3: {  	(tm) =	ssettm $0x7FFFFFFF  }
tec
execute0_lowered:
.L_overlay_start_1:
0x0: {  	(tag) =	ssettag $0x1  }
0x1: {  	s0 =	rddreg [dreg:$0x0]  }
0x2: {  	s1 =	srdreg.scid;
	s6 =	rddreg [dreg:$0x1]  }
0x3: {  	s2 =	rddreg [dreg:$0x2];
	s14 =	stileid.u32  }
0x4: {  	s3 =	simm.s32 $0x0;
	s19 =	simm.s32 $0x13C40;
	s20 =	simm.s32 $0x1A0  }
0x5: {  	s21 =	simm.s32 $0x15540;
	s22 =	simm.s32 $0x208;
	s23 =	simm.s32 $0x16E40  }
0x6: {  	s25 =	simm.s32 $0x270;
	s28 =	simm.s32 $0x2D8;
	s29 =	simm.s32 $0x1A040  }
0x7: {  	s30 =	simm.s32 $0x340;
	s31 =	simm.s32 $0x1B940;
	s1 =	sand.u32 $0x1, s1  }
0x8: {  	[smem:$0x7FF] =	sst s3;
	s5 =	sadd.s32 $0x33200, s0;
	s11 =	smul.u32 $0xA000, s14  }
0x9: {  	s26 =	sshll.u32 s14, $0x6;
	s4 =	sshll.u32 s1, $0x4;
	_ =	strace $0x8000004D  }
0xa: {  	s9 =	smul.u32 $0x14000, s1;
	s1 =	ssub.s32 $0x2, s1;
	s4 =	sor.u32 s14, s4  }
0xb: {  	s10 =	sshrl.u32 s1, $0x1;
	s12 =	sadd.s32 s11, s2;
	s13 =	sshrl.u32 s11, $0x3  }
0xc: {  	s7 =	smul.u32 $0x514, s4;
	s4 =	sadd.s32 $0xC000, s0;
	s1 =	ssub.s32 s1, s10  }
.Ltmp0:
0xd: {  	s10 =	sor.u32 $0x1C15, s26;
	s11 =	sshrl.u32 s12, $0x3;
	(pc) =	sbr.rel .LBB2_1-.Ltmp0, $4  }
0xe: {  	s12 =	simm.s32 $0x64;
	s26 =	simm.s32 $0x18740;
	s8 =	sadd.s32 s7, s0  }
0xf: {  	s0 =	sadd.s32 s9, s0;
	s6 =	sadd.s32 s6, s7;
	s9 =	simm.s32 $0x15  }
0x10: {  	s7 =	sadd.s32 $0x1C00, s8;
	s0 =	sadd.s32 $0x34600, s0;
	s8 =	smax.u32 s1, $0x1  }
0x11: {  	s1 =	simm.s32 $0x0;
	s24 =	sadd.s32 s13, s0;
	s0 =	simm.s32 $0x1D240  }
.LBB2_5:
0x12: {  	s1 =	sadd.s32 $0x1, s1  }
0x13: {  	p0 =	sne.s32 s1, s8  }
.Ltmp1:
0x14: {  	[bflag:$0x0] =	sbarrier.arrive $0xFFFF;
	(pc) =	sbr.rel @!p0 .LBB2_6-.Ltmp1, $4  }
0x15: {  	[hbm:s24], [sflag:s10] =	dma.local [spmem:s11], $0x1400  }
0x16: {  	_ =	swait.ge [sflag:s9], $0x1400  }
0x17: {  	[sflag:s9] =	ssyncset.done $0x0  }
0x18: {  	[sflag:s9] =	ssyncadd.s32 $0xFFFFEC00  }
.LBB2_1:
0x19: {  	[tilespmem:s3], [sflag:$0x15] =	stream.linear.gather [hbm4b:s6+s3], $0x28A0, $0x38;
	[tilespmem:$0x1EB40] =	vst v63  }
0x1a: {  	_ =	swait.ge [sflag:s9], $0x28A0  }
0x1b: {  	[sflag:s9] =	ssyncset.done $0x0  }
0x1c: {  	s13 =	simm.s32 $0x28A0;
	[sflag:s9] =	ssyncadd.s32 $0xFFFFD760  }
0x1d: {  	[tilespmem:s13], [sflag:$0x15] =	stream.linear.gather [hbm4b:s7+s3], $0x28A0, $0x38;
	[tilespmem:$0x1EB40] =	vst v63  }
0x1e: {  	_ =	swait.ge [sflag:s9], $0x28A0  }
0x1f: {  	[sflag:s9] =	ssyncset.done $0x0  }
0x20: {  	[sflag:s9] =	ssyncadd.s32 $0xFFFFD760  }
0x21: {  	[spmem:s11], [sflag:s10] =	dma.local [hbm:s5], $0x1400  }
0x22: {  	_ =	swait.ge [sflag:s9], $0x1400  }
0x23: {  	[sflag:s9] =	ssyncset.done $0x0  }
0x24: {  	[sflag:s9] =	ssyncadd.s32 $0xFFFFEC00  }
0x25: {  	s14 =	simm.s32 $0xF140;
	[bflag:$0x0] =	sbarrier.arrive $0xFFFF  }
0x26: {  	[tilespmem:s14], [sflag:$0x1] =	stream.indirect.gather [hbm4b:s4+s12], $0x40, s3, s12, $0xb8;
	[tilespmem:$0x1EB40] =	vst v63  }
0x27: {  	s18 =	simm.s32 $0x68;
	s15 =	simm.s32 $0x10A40  }
0x28: {  	[tilespmem:s15], [sflag:$0x2] =	stream.indirect.gather [hbm4b:s4+s12], $0x40, s18, s12, $0xb8;
	[tilespmem:$0x1EB40] =	vst v63  }
0x29: {  	s16 =	simm.s32 $0xD0;
	s17 =	simm.s32 $0x12340  }
0x2a: {  	[tilespmem:s17], [sflag:$0x3] =	stream.indirect.gather [hbm4b:s4+s12], $0x40, s16, s12, $0xb8;
	[tilespmem:$0x1EB40] =	vst v63  }
0x2b: {  	s18 =	simm.s32 $0x138  }
0x2c: {  	[tilespmem:s19], [sflag:$0x4] =	stream.indirect.gather [hbm4b:s4+s12], $0x40, s18, s12, $0xb8;
	[tilespmem:$0x1EB40] =	vst v63  }
0x2d: {  	_ = 	snop  }
0x2e: {  	[tilespmem:s21], [sflag:$0x5] =	stream.indirect.gather [hbm4b:s4+s12], $0x40, s20, s12, $0xb8;
	[tilespmem:$0x1EB40] =	vst v63  }
0x2f: {  	_ = 	snop  }
0x30: {  	[tilespmem:s23], [sflag:$0x6] =	stream.indirect.gather [hbm4b:s4+s12], $0x40, s22, s12, $0xb8;
	[tilespmem:$0x1EB40] =	vst v63  }
0x31: {  	_ = 	snop  }
0x32: {  	[tilespmem:s26], [sflag:$0x7] =	stream.indirect.gather [hbm4b:s4+s12], $0x40, s25, s12, $0xb8;
	[tilespmem:$0x1EB40] =	vst v63  }
0x33: {  	_ = 	snop  }
0x34: {  	[tilespmem:s29], [sflag:$0x8] =	stream.indirect.gather [hbm4b:s4+s12], $0x40, s28, s12, $0xb8;
	[tilespmem:$0x1EB40] =	vst v63  }
.Ltmp2:
0x35: {  	_ = 	snop;
	(pc) =	sbr.rel .LBB2_2-.Ltmp2, $4  }
0x36: {  	_ = 	snop  }
0x37: {  	[tilespmem:s31], [sflag:$0x9] =	stream.indirect.gather [hbm4b:s4+s12], $0x40, s30, s12, $0xb8;
	[tilespmem:$0x1EB40] =	vst v63  }
0x38: {  	s14 =	simm.s32 $0x3A8;
	s15 =	simm.s32 $0x0  }
0x39: {  	[tilespmem:s0], [sflag:$0xA] =	stream.indirect.gather [hbm4b:s4+s12], $0x40, s14, s12, $0xb8;
	[tilespmem:$0x1EB40] =	vst v63  }
.LBB2_4:
0x3a: {  	s15 =	sadd.s32 $0x1, s15  }
0x3b: {  	p0 =	sne.s32 s15, $0x65  }
.Ltmp3:
0x3c: {  	_ = 	snop;
	(pc) =	sbr.rel @!p0 .LBB2_5-.Ltmp3, $2  }
0x3d: {  	_ =	sdelay $0x2  }
0x3e: {  	s14 =	sadd.s32 $0x68, s14;
	s13 =	sadd.s32 $0x68, s13  }
.LBB2_2:
0x3f: {  	p0 =	seq.s32 s15, $0x64  }
0x40: {  	s16 =	smul.u32 @!p0 $0xCD, s15;
	_ =	sdelay $0x1  }
0x41: {  	s16 =	sshrl.u32 @!p0 s16, $0xB  }
0x42: {  	s16 =	sand.u32 @!p0 $0x1F, s16  }
0x43: {  	s16 =	smul.u32 @!p0 $0xA, s16;
	_ =	sdelay $0x1  }
0x44: {  	s16 =	ssub.s32 @!p0 s15, s16  }
0x45: {  	p1 =	seq.s32 @!p0 s15, $0x0;
	s16 =	sand.u32 @!p0 $0xFF, s16  }
0x46: {  	p1 =	por p0, !p1;
	s17 =	smul.u32 @!p0 $0x6400, s16  }
.Ltmp4:
0x47: {  	s18 =	sadd.s32 @!p0 $0x1, s16;
	(pc) =	sbr.rel @!p1 .LBB2_4-.Ltmp4, $4  }
0x48: {  	_ =	swait.ge @!p0 [sflag:s18], $0x1900  }
0x49: {  	s16 =	sadd.s32 @!p0 $0xB, s16;
	s17 =	sshrl.u32 @!p0 s17, $0x2;
	[sflag:s18] =	ssyncset.done @!p0 $0x0  }
0x4a: {  	s17 =	sadd.s32 @!p0 $0xF140, s17;
	[sflag:s18] =	ssyncadd.s32 @!p0 $0xFFFFE700;
	s18 =	simm.s32 @!p0 $0x64  }
0x4b: {  	[spmem:s2] =	stream.indirect.scatter.add.f32 @!p0 [tilespmem:s17], [sflag:s16], $0x40, s13, s18, $0xb8;
	[tilespmem:$0x1EB40] =	vst v63  }
0x4c: {  	s16 =	smov.u32 s15  }
0x4d: {  	s16 =	simm.s32 @p0 $0x64  }
0x4e: {  	s16 =	sadd.s32 $0xFFFFFFFF, s16  }
0x4f: {  	s17 =	sand.u32 $0xFF, s16  }
0x50: {  	s17 =	smul.u32 $0xCD, s17;
	_ =	sdelay $0x1  }
0x51: {  	s17 =	sshrl.u32 s17, $0xB  }
0x52: {  	s17 =	smul.u32 $0xA, s17;
	_ =	sdelay $0x1  }
0x53: {  	s16 =	ssub.s32 s16, s17  }
0x54: {  	p0 =	sgt.u32 s15, $0x5A;
	s16 =	sand.u32 $0xFF, s16  }
0x55: {  	s17 =	sadd.s32 $0xB, s16;
	s18 =	smul.u32 @!p0 $0x6400, s16  }
.Ltmp5:
0x56: {  	_ =	swait.ge [sflag:s17], $0x1900;
	(pc) =	sbr.rel .LBB2_4-.Ltmp5, $4  }
0x57: {  	[sflag:s17] =	ssyncset.done $0x0  }
0x58: {  	[sflag:s17] =	ssyncadd.s32 $0xFFFFE700;
	s17 =	sshrl.u32 @!p0 s18, $0x2  }
0x59: {  	s16 =	sadd.s32 @!p0 $0x1, s16;
	s18 =	simm.s32 @!p0 $0x64;
	s17 =	sadd.s32 @!p0 $0xF140, s17  }
0x5a: {  	[tilespmem:s17], [sflag:s16] =	stream.indirect.gather @!p0 [hbm4b:s4+s18], $0x40, s14, s18, $0xb8;
	[tilespmem:$0x1EB40] =	vst v63  }
.LBB2_6:
0x5b: {  	_ =	sfence.sel $0x180000  }
0x5c: {  	[bflag:$0x0] =	sbarrier.arrive $0xFFFF  }
0x5d: {  	_ =	strace $0x9000004D  }
0x5e: {  	s0 =	stileid.u32;
	[bflag:$0x2] =	sbarrier.arrive $0xFFFF  }
0x5f: {  	p0 =	sne.s32 s0, $0x0;
	s0 =	rddreg [dreg:$0x3]  }
0x60: {  	s0 =	sadd.s32 @!p0 $0x100000, s0  }
0x61: {  	[sflag:s0] =	ssyncadd.tile.s32 @!p0 $0x1;
	_ =	shalt  }
.Lfunc_end2:
_tile_overlayer_lowered:
.L_overlay_start_2:
0x62: {  	(tag) =	ssettag $0x2  }
0x63: {  	s0 =	rddreg [dreg:$0x0];
	s2 =	stileid.u32  }
0x64: {  	s1 =	rddreg [dreg:$0x1];
	p0 =	sne.s32 s2, $0x0  }
0x65: {  	s3 =	rddreg [dreg:$0x2];
	[bflag:$0x3] =	sbarrier.arrive $0xFFFF;
	s2 =	simm.s32 @!p0 $0x1C15  }
0x66: {  	[timem:s3], [sflag:s2] =	dma.local @!p0 [hbm:s0], s1  }
0x67: {  	s0 =	simm.s32 @!p0 $0x15  }
0x68: {  	_ =	swait.ge @!p0 [sflag:s0], s1  }
0x69: {  	s1 =	ssub.s32 @!p0 $0x0, s1;
	[sflag:s0] =	ssyncset.done @!p0 $0x0  }
0x6a: {  	[sflag:s0] =	ssyncadd.s32 @!p0 s1  }
0x6b: {  	[bflag:$0x3] =	sbarrier.arrive $0xFFFF  }
0x6c: {  	_ =	shalt  }

// kernel: kernel.7.cloned.1.call-start
scs
__scs_entry_jumppad:
0x0: {  	(pc) =	sbr.rel $0x88, $3  }
0x1: {  	(tag) =	ssettag $0x0;
	lr =	simm.s32 $0x1  }
0x2: {  	[smem:$0x3F99] =	sst lr;
	_ =	strace $0xD0000000  }
0x3: {  	_ = 	snop  }
0x4: {  	_ = 	snop  }
0x5: {  	_ = 	snop  }
0x6: {  	_ = 	snop  }
0x7: {  	_ = 	snop  }
__scs_overlays_trampoline_lowered:
0x8: {  	[smem:$0x3FA8] =	sst s0  }
0x9: {  	[smem:$0x3FA9] =	sst s1  }
0xa: {  	[smem:$0x3FAA] =	sst s2  }
0xb: {  	[smem:$0x3FAB] =	sst s3  }
0xc: {  	[smem:$0x3FAC] =	sst s4  }
0xd: {  	[smem:$0x3FAD] =	sst s5  }
0xe: {  	[smem:$0x3FAE] =	sst s6  }
0xf: {  	[smem:$0x3FAF] =	sst s7  }
0x10: {  	[smem:$0x3FB0] =	sst s8  }
0x11: {  	[smem:$0x3FB1] =	sst s9;
	s0 =	simm.s32 @!p0 $0x0  }
0x12: {  	s1 =	sld [smem:$0x3F97];
	s0 =	simm.s32 @p0 $0x1  }
0x13: {  	[smem:$0x3FB2] =	sst s0;
	s0 =	simm.s32 @!p1 $0x0  }
0x14: {  	s2 =	sld [smem:$0x3F96];
	s0 =	simm.s32 @p1 $0x1  }
0x15: {  	[smem:$0x3FB3] =	sst s0;
	s0 =	simm.s32 @!p2 $0x0  }
0x16: {  	s3 =	sld [smem:$0x3FDB];
	s0 =	simm.s32 @p2 $0x1  }
0x17: {  	s4 =	simm.s32 $0x1BF5;
	[smem:$0x3FB5] =	sst s0  }
0x18: {  	s0 =	sld [smem:$0x3F98];
	_ =	swait.ge [sflag:s4], $0x0  }
0x19: {  	s7 =	sld [smem:$0x3F99]  }
0x1a: {  	s8 =	sadd.s32 $0xFFFFE003, lr  }
0x1b: {  	s9 =	sadd.s32 $0xFFFFFEF7, lr;
	s5 =	simm.s32 $0xFFFFFFFF;
	p2 =	slt.u32 s8, $0xFFFFF086  }
0x1c: {  	p1 =	slt.u32 s9, $0xF7A;
	s5 =	simm.s32 @!p2 $0x0  }
0x1d: {  	s5 =	simm.s32 @p1 $0x1;
	p0 =	seq.s32 s7, s2  }
0x1e: {  	s7 =	smul.u32 @!p0 $0xF7A, s2;
	p2 =	seq.s32 @!p0 s5, $0x0  }
0x1f: {  	s9 =	smul.u32 $0xF7A, s1;
	s8 =	simm.s32 @!p0 $0x1BF5;
	p2 =	por !p2, p0  }
0x20: {  	[sflag:s8] =	ssyncset.s32 @!p0 $0xFFFFF086;
	s6 =	sadd.s32 @!p0 s3, s7;
	s7 =	simm.s32 @!p0 $0x108  }
0x21: {  	s3 =	sadd.s32 s3, s9;
	s6 =	sadd.s32 @!p0 $0x88, s6;
	s7 =	simm.s32 @p2 $0x1082  }
0x22: {  	[simem:s7], [sflag:s8] =	dma.local @!p0 [hbm:s6], $0xF7A  }
0x23: {  	s9 =	sor.u32 $0xD0000000, s2;
	s6 =	simm.s32 $0x108;
	_ =	swait.ge @!p0 [sflag:s8], $0x0  }
0x24: {  	s3 =	sadd.s32 $0x88, s3;
	s6 =	simm.s32 @!p1 $0x1082;
	[sflag:s4] =	ssyncset.s32 $0xFFFFF086  }
0x25: {  	[simem:s6], [sflag:s4] =	dma.local [hbm:s3], $0xF7A  }
0x26: {  	[smem:$0x3F99] =	sst s1;
	(tag) =	ssettag s2;
	_ =	strace s9  }
0x27: {  	s1 =	sld [smem:$0x3FA9]  }
0x28: {  	s2 =	sld [smem:$0x3FAA]  }
0x29: {  	s4 =	sld [smem:$0x3FAC]  }
0x2a: {  	p0 =	seq.s32 s5, $0x0;
	s5 =	sld [smem:$0x3FAD]  }
0x2b: {  	s6 =	sld [smem:$0x3FAE]  }
0x2c: {  	s7 =	sld [smem:$0x3FAF]  }
0x2d: {  	s3 =	simm.s32 $0x108;
	s8 =	sld [smem:$0x3FB0]  }
0x2e: {  	s3 =	simm.s32 @!p0 $0x1082;
	s9 =	sld [smem:$0x3FB1]  }
0x2f: {  	lr =	sadd.s32 s0, s3;
	s0 =	sld [smem:$0x3FA8]  }
0x30: {  	s3 =	sld [smem:$0x3FAB]  }
0x31: {  	[smem:$0x3FB4] =	sst s10  }
0x32: {  	s10 =	sld [smem:$0x3FB2];
	_ =	sdelay $0x3  }
0x33: {  	p0 =	seq.s32 s10, $0x1;
	s10 =	sld [smem:$0x3FB4];
	_ =	sdelay $0x3  }
0x34: {  	[smem:$0x3FB4] =	sst s10  }
0x35: {  	s10 =	sld [smem:$0x3FB3];
	_ =	sdelay $0x3  }
0x36: {  	p1 =	seq.s32 s10, $0x1;
	s10 =	sld [smem:$0x3FB4];
	_ =	sdelay $0x3  }
0x37: {  	[smem:$0x3FB4] =	sst s10  }
0x38: {  	s10 =	sld [smem:$0x3FB5]  }
0x39: {  	_ = 	snop;
	(pc) =	sbr.ind lr, $3  }
0x3a: {  	_ = 	snop  }
0x3b: {  	_ = 	snop  }
0x3c: {  	p2 =	seq.s32 s10, $0x1;
	s10 =	sld [smem:$0x3FB4]  }
0x3d: {  	_ =	shalt  }
0x3e: {  	_ =	shalt  }
0x3f: {  	_ =	shalt  }
0x40: {  	_ =	shalt  }
0x41: {  	_ =	shalt  }
0x42: {  	_ =	shalt  }
0x43: {  	_ =	shalt  }
0x44: {  	_ =	shalt  }
0x45: {  	_ =	shalt  }
0x46: {  	_ =	shalt  }
0x47: {  	_ =	shalt  }
0x48: {  	_ =	shalt  }
0x49: {  	_ =	shalt  }
0x4a: {  	_ =	shalt  }
0x4b: {  	_ =	shalt  }
0x4c: {  	_ =	shalt  }
0x4d: {  	_ =	shalt  }
0x4e: {  	_ =	shalt  }
0x4f: {  	_ =	shalt  }
0x50: {  	_ =	shalt  }
0x51: {  	_ =	shalt  }
0x52: {  	_ =	shalt  }
0x53: {  	_ =	shalt  }
0x54: {  	_ =	shalt  }
0x55: {  	_ =	shalt  }
0x56: {  	_ =	shalt  }
0x57: {  	_ =	shalt  }
0x58: {  	_ =	shalt  }
0x59: {  	_ =	shalt  }
0x5a: {  	_ =	shalt  }
0x5b: {  	_ =	shalt  }
0x5c: {  	_ =	shalt  }
0x5d: {  	_ =	shalt  }
0x5e: {  	_ =	shalt  }
0x5f: {  	_ =	shalt  }
0x60: {  	_ =	shalt  }
0x61: {  	_ =	shalt  }
0x62: {  	_ =	shalt  }
0x63: {  	_ =	shalt  }
0x64: {  	_ =	shalt  }
0x65: {  	_ =	shalt  }
0x66: {  	_ =	shalt  }
0x67: {  	_ =	shalt  }
0x68: {  	_ =	shalt  }
0x69: {  	_ =	shalt  }
0x6a: {  	_ =	shalt  }
0x6b: {  	_ =	shalt  }
0x6c: {  	_ =	shalt  }
0x6d: {  	_ =	shalt  }
0x6e: {  	_ =	shalt  }
0x6f: {  	_ =	shalt  }
0x70: {  	_ =	shalt  }
0x71: {  	_ =	shalt  }
0x72: {  	_ =	shalt  }
0x73: {  	_ =	shalt  }
0x74: {  	_ =	shalt  }
0x75: {  	_ =	shalt  }
0x76: {  	_ =	shalt  }
0x77: {  	_ =	shalt  }
0x78: {  	_ =	shalt  }
0x79: {  	_ =	shalt  }
0x7a: {  	_ =	shalt  }
0x7b: {  	_ =	shalt  }
0x7c: {  	_ =	shalt  }
0x7d: {  	_ =	shalt  }
0x7e: {  	_ =	shalt  }
0x7f: {  	_ =	shalt  }
0x80: {  	_ =	shalt  }
0x81: {  	_ =	shalt  }
0x82: {  	_ =	shalt  }
0x83: {  	_ =	shalt  }
0x84: {  	_ =	shalt  }
0x85: {  	_ =	shalt  }
0x86: {  	_ =	shalt  }
0x87: {  	_ =	shalt  }
.Lfunc_end0:
.L_simem_size_0:
called_computation_lowered:
.L_overlay_start_0:
0x88: {  	s2 =	sld [smem:$0x3FD9]  }
0x89: {  	s3 =	sld [smem:$0x3FFE];
	_ =	sdelay $0x1  }
0x8a: {  	s1 =	srdreg.scid  }
0x8b: {  	s0 =	sand.u32 $0x1, s1  }
0x8c: {  	s17 =	sshll.u32 s0, $0xA;
	s2 =	sadd.s32 s3, s2  }
0x8d: {  	s2 =	sadd.s32 s2, s17  }
0x8e: {  	[smem:$0x3FC0] =	sst s2  }
0x8f: {  	_ = 	snop  }
0x90: {  	(tm) =	ssettm $0x1  }
0x91: {  	s18 =	sld [smem:$0x3FFB];
	_ =	sdelay $0x3  }
0x92: {  	_ =	strace s18  }
0x93: {  	s2 =	sld [smem:$0x3FFC];
	_ =	sdelay $0x3  }
0x94: {  	_ =	strace s2  }
0x95: {  	s2 =	sld [smem:$0x3FFD];
	_ =	sdelay $0x3  }
0x96: {  	_ =	strace s2  }
0x97: {  	_ =	strace $0x8FFFFFFF  }
0x98: {  	s19 =	sld [smem:$0x3FDB];
	_ =	sdelay $0x1  }
0x99: {  	s20 =	simm.s32 $_scs_section_size  }
0x9a: {  	s4 =	simm.s32 $_size__tile_overlayer_lowered;
	s5 =	simm.s32 $_tile_overlayer_lowered  }
0x9b: {  	s6 =	simm.s32 $0x1BFF;
	s21 =	sshll.u32 s5, $0x1;
	s3 =	sadd.s32 s20, s19  }
0x9c: {  	s22 =	simm.s32 $0x0;
	s4 =	sshll.u32 s4, $0x1;
	s5 =	sadd.s32 s21, s3  }
0x9d: {  	[timem:s22], [sflag:s6] =	dma.local [hbm:s5], s4  }
0x9e: {  	_ =	swait.ge [sflag:s6], s4  }
0x9f: {  	s4 =	ssub.s32 $0x0, s4;
	[sflag:s6] =	ssyncset.done $0x0  }
0xa0: {  	[sflag:s6] =	ssyncadd.s32 s4;
	_ =	sdelay $0x1  }
0xa1: {  	s23 =	simm.s32 $0x1B8B  }
0xa2: {  	_ =	swait.ge [sflag:s23], $0x1  }
0xa3: {  	[sflag:s23] =	ssyncset.done $0x0  }
0xa4: {  	[sflag:s23] =	ssyncadd.s32 $0xFFFFFFFF  }
0xa5: {  	s4 =	sld [smem:$0x0]  }
0xa6: {  	s5 =	sand.u32 $0xFFFFFFFE, s1  }
0xa7: {  	p0 =	sne.s32 s1, s5  }
0xa8: {  	s5 =	sshll.u32 @p0 s5, $0xE  }
0xa9: {  	s5 =	sadd.s32 @p0 $0x11B8D, s5;
	s6 =	sshll.u32 @p0 s4, $0x11  }
0xaa: {  	s5 =	sor.u32 @p0 s6, s5  }
0xab: {  	[sflag:s5] =	ssyncadd.remote.s32 @p0 $0x1;
	_ =	sdelay $0x1  }
0xac: {  	s5 =	simm.s32 @p0 $0x1B8D  }
0xad: {  	_ =	swait.eq @p0 [sflag:s5], $0x1  }
0xae: {  	[sflag:s5] =	ssyncadd.s32 @p0 $0xFFFFFFFF  }
0xaf: {  	s6 =	sshll.u32 @!p0 s1, $0xE  }
0xb0: {  	s6 =	sor.u32 @!p0 $0x4000, s6;
	s5 =	simm.s32 @!p0 $0x1B8D  }
0xb1: {  	s4 =	sshll.u32 @!p0 s4, $0x11;
	s6 =	sadd.s32 @!p0 $0x11B8D, s6;
	_ =	swait.eq @!p0 [sflag:s5], $0x1  }
0xb2: {  	s4 =	sor.u32 @!p0 s4, s6;
	[sflag:s5] =	ssyncadd.s32 @!p0 $0xFFFFFFFF  }
0xb3: {  	s25 =	simm.s32 $0x1B8E;
	s24 =	sld [smem:$0x3FFE];
	[sflag:s4] =	ssyncadd.remote.s32 @!p0 $0x1  }
0xb4: {  	s26 =	simm.s32 $execute0_lowered;
	[smem:$0x3FD2] =	sst s25  }
0xb5: {  	s5 =	sshll.u32 s26, $0x1;
	_ =	strace $0x80000049;
	[dreg:$0x1] =	wrdreg $0xFFFFFFFF  }
0xb6: {  	s28 =	simm.s32 $_size_execute0_lowered;
	s3 =	sadd.s32 s3, s5;
	[dreg:$0x0] =	wrdreg $0x0  }
0xb7: {  	s5 =	sshll.u32 s28, $0x1;
	[dreg:$0x2] =	wrdreg s3  }
0xb8: {  	[dreg:$0x3] =	wrdreg s5  }
0xb9: {  	[dreg:$0x4] =	wrdreg $0xC0  }
0xba: {  	_ =	task [dreg:s22], $0x5FFFF  }
0xbb: {  	[dreg:$0x1] =	wrdreg $0xFFFFFFFF  }
0xbc: {  	[dreg:$0x0] =	wrdreg $0x60  }
0xbd: {  	[dreg:$0x2] =	wrdreg s24  }
0xbe: {  	[dreg:$0x3] =	wrdreg $0x2BC00  }
0xbf: {  	[dreg:$0x4] =	wrdreg $0x9  }
0xc0: {  	_ =	task.clear_ibuf [dreg:s22], $0x5FFFF;
	_ =	strace $0x90000049  }
0xc1: {  	s29 =	simm.s32 $0x9;
	_ =	strace $0x8000004B  }
0xc2: {  	_ =	swait.ge [sflag:s29], $0x1  }
0xc3: {  	[sflag:s29] =	ssyncadd.s32 $0xFFFFFFFF  }
0xc4: {  	_ =	strace $0x9000004B  }
0xc5: {  	_ =	sfence  }
0xc6: {  	s30 =	sld [smem:$0x0];
	_ =	sdelay $0x2  }
0xc7: {  	s31 =	sshll.u32 s1, $0xD;
	s1 =	sshrl.u32 s1, $0x2  }
0xc8: {  	s4 =	sand.u32 $0x4000, s31;
	s1 =	sadd.s32 s1, s30  }
0xc9: {  	s0 =	sor.u32 s4, s0;
	s1 =	sshll.u32 s1, $0x11  }
0xca: {  	s0 =	sor.u32 s1, s0  }
0xcb: {  	s0 =	sadd.s32 $0x8F2B, s0  }
0xcc: {  	[sflag:s0] =	ssyncadd.remote.s32 $0x1  }
0xcd: {  	_ =	sfence.sel $0xFFFF  }
0xce: {  	[dreg:$0x0] =	wrdreg $0xFFFFFFFF;
	(pc) =	sbr.abs _section_cstart, $3  }
0xcf: {  	[dreg:$0x1] =	wrdreg $0xFFFFFFFF  }
0xd0: {  	_ =	task.clear_ibuf [dreg:s22], $0x2FFFF;
	_ =	strace $0x9FFFFFFF  }
0xd1: {  	(tm) =	ssettm $0x7FFFFFFF  }
tec
execute0_lowered:
.L_overlay_start_1:
0x0: {  	(tag) =	ssettag $0x1  }
0x1: {  	s0 =	srdreg.scid;
	s6 =	rddreg [dreg:$0x0]  }
0x2: {  	s2 =	rddreg [dreg:$0x1];
	s3 =	simm.s32 $0x0;
	s12 =	simm.s32 $0x64  }
0x3: {  	s13 =	simm.s32 $0x1;
	s5 =	sand.u32 $0x1, s0;
	s0 =	stileid.u32  }
0x4: {  	[smem:$0x7FF] =	sst s3;
	s1 =	sshll.u32 s5, $0x4;
	s8 =	smul.u32 $0x2800, s5  }
0x5: {  	s9 =	ssub.s32 $0x2, s5;
	s10 =	smul.u32 $0x1400, s0;
	s5 =	sadd.s32 $0x5C600, s6  }
0x6: {  	s31 =	sshll.u32 s0, $0x6;
	s4 =	sor.u32 s0, s1;
	s1 =	rddreg [dreg:$0x2]  }
0x7: {  	_ =	strace $0x8000004A;
	s30 =	sshrl.u32 s9, $0x1;
	s4 =	smul.u32 $0x514, s4  }
0x8: {  	s8 =	sadd.s32 s8, s6;
	s9 =	ssub.s32 s9, s30;
	s11 =	sadd.s32 s10, s2  }
0x9: {  	s15 =	sshrl.u32 s10, $0x3;
	s10 =	sor.u32 $0x1C02, s31;
	s14 =	sadd.s32 $0x5CC00, s8  }
0xa: {  	s8 =	simm.s32 $0x2;
	s11 =	sshrl.u32 s11, $0x3;
	s7 =	sadd.s32 s4, s6  }
0xb: {  	s4 =	sadd.s32 $0x5CA00, s6;
	s14 =	sadd.s32 s15, s14;
	s15 =	simm.s32 $0x0  }
0xc: {  	s6 =	sadd.s32 $0x1C00, s7;
	s7 =	smax.u32 s9, $0x1;
	s9 =	simm.s32 $0x28A0  }
.LBB2_1:
0xd: {  	[tilespmem:s3], [sflag:$0x2] =	stream.linear.gather [hbm4b:s6+s3], $0x28A0, $0x38;
	[tilespmem:$0x3FC0] =	vst v63  }
0xe: {  	_ =	swait.ge [sflag:s8], $0x28A0  }
0xf: {  	[sflag:s8] =	ssyncset.done $0x0  }
0x10: {  	[sflag:s8] =	ssyncadd.s32 $0xFFFFD760  }
0x11: {  	[tilespmem:s9], [sflag:$0x2] =	stream.linear.gather [hbm4b:s4+s3], $0x320, $0x38;
	[tilespmem:$0x3FC0] =	vst v63  }
0x12: {  	_ =	swait.ge [sflag:s8], $0x320  }
0x13: {  	[sflag:s8] =	ssyncset.done $0x0  }
0x14: {  	[sflag:s8] =	ssyncadd.s32 $0xFFFFFCE0  }
0x15: {  	[spmem:s11], [sflag:s10] =	dma.local [hbm:s5], $0x280  }
0x16: {  	_ =	swait.ge [sflag:s8], $0x280  }
0x17: {  	[sflag:s8] =	ssyncset.done $0x0  }
0x18: {  	p0 =	por $0x1, $0x1;
	[sflag:s8] =	ssyncadd.s32 $0xFFFFFD80  }
0x19: {  	s18 =	simm.s32 @!p0 $0x1;
	[bflag:$0x0] =	sbarrier.arrive $0xFFFF  }
0x1a: {  	[spmem:s2] =	stream.indirect.scatter.add.f32 [tilespmem:s9], [sflag:$0x1], $0x8, s3, s12, $0xb8;
	[tilespmem:$0x3FC0] =	vst v63  }
0x1b: {  	_ =	swait.ge @!p0 [sflag:s18], $0x320  }
0x1c: {  	s16 =	simm.s32 $0x1;
	s17 =	simm.s32 $0x0;
	[sflag:s18] =	ssyncset.done @!p0 $0x0  }
.LBB2_2:
0x1d: {  	[sflag:s18] =	ssyncadd.s32 @!p0 $0xFFFFFCE0  }
0x1e: {  	s17 =	sadd.s32 $0x68, s17;
	s18 =	smov.u32 s16;
	s16 =	sadd.s32 $0x1, s16  }
0x1f: {  	p1 =	sne.s32 s16, $0x64  }
0x20: {  	[spmem:s2] =	stream.indirect.scatter.add.f32 [tilespmem:s9], [sflag:$0x1], $0x8, s17, s12, $0xb8;
	[tilespmem:$0x3FC0] =	vst v63  }
.Ltmp0:
0x21: {  	_ = 	snop;
	(pc) =	sbr.rel @p1 .LBB2_2-.Ltmp0, $4  }
0x22: {  	p0 =	slt.u32 s18, $0x8  }
0x23: {  	s18 =	simm.s32 @!p0 $0x1  }
0x24: {  	_ =	swait.ge @!p0 [sflag:s18], $0x320  }
0x25: {  	[sflag:s18] =	ssyncset.done @!p0 $0x0  }
0x26: {  	[sflag:s18] =	ssyncadd.s32 @!p0 $0xFFFFFCE0  }
0x27: {  	_ =	swait.ge [sflag:s13], $0x320  }
0x28: {  	[sflag:s13] =	ssyncset.done $0x0  }
0x29: {  	[sflag:s13] =	ssyncadd.s32 $0xFFFFFCE0  }
0x2a: {  	_ =	swait.ge [sflag:s13], $0x320  }
0x2b: {  	[sflag:s13] =	ssyncset.done $0x0  }
0x2c: {  	[sflag:s13] =	ssyncadd.s32 $0xFFFFFCE0  }
0x2d: {  	_ =	swait.ge [sflag:s13], $0x320  }
0x2e: {  	[sflag:s13] =	ssyncset.done $0x0  }
0x2f: {  	[sflag:s13] =	ssyncadd.s32 $0xFFFFFCE0  }
0x30: {  	_ =	swait.ge [sflag:s13], $0x320  }
0x31: {  	[sflag:s13] =	ssyncset.done $0x0  }
0x32: {  	[sflag:s13] =	ssyncadd.s32 $0xFFFFFCE0  }
0x33: {  	_ =	swait.ge [sflag:s13], $0x320  }
0x34: {  	[sflag:s13] =	ssyncset.done $0x0  }
0x35: {  	[sflag:s13] =	ssyncadd.s32 $0xFFFFFCE0  }
0x36: {  	_ =	swait.ge [sflag:s13], $0x320  }
0x37: {  	[sflag:s13] =	ssyncset.done $0x0  }
0x38: {  	[sflag:s13] =	ssyncadd.s32 $0xFFFFFCE0  }
0x39: {  	_ =	swait.ge [sflag:s13], $0x320  }
0x3a: {  	[sflag:s13] =	ssyncset.done $0x0  }
0x3b: {  	[sflag:s13] =	ssyncadd.s32 $0xFFFFFCE0  }
0x3c: {  	_ =	swait.ge [sflag:s13], $0x320  }
0x3d: {  	s15 =	sadd.s32 $0x1, s15;
	[sflag:s13] =	ssyncset.done $0x0  }
0x3e: {  	p0 =	sne.s32 s15, s7;
	[sflag:s13] =	ssyncadd.s32 $0xFFFFFCE0  }
.Ltmp1:
0x3f: {  	[bflag:$0x0] =	sbarrier.arrive $0xFFFF;
	(pc) =	sbr.rel @p0 .LBB2_1-.Ltmp1, $4  }
0x40: {  	[hbm:s14], [sflag:s10] =	dma.local [spmem:s11], $0x280  }
0x41: {  	_ =	swait.ge [sflag:s8], $0x280  }
0x42: {  	[sflag:s8] =	ssyncset.done $0x0  }
0x43: {  	[sflag:s8] =	ssyncadd.s32 $0xFFFFFD80  }
0x44: {  	_ =	sfence.sel $0x180000  }
0x45: {  	[bflag:$0x0] =	sbarrier.arrive $0xFFFF  }
0x46: {  	p0 =	sne.s32 s0, $0x0;
	_ =	strace $0x9000004A  }
0x47: {  	s0 =	sadd.s32 @!p0 $0x100000, s1;
	[bflag:$0x2] =	sbarrier.arrive $0xFFFF  }
0x48: {  	[sflag:s0] =	ssyncadd.tile.s32 @!p0 $0x1;
	_ =	shalt  }
.Lfunc_end2:
_tile_overlayer_lowered:
.L_overlay_start_2:
0x49: {  	(tag) =	ssettag $0x2  }
0x4a: {  	s0 =	rddreg [dreg:$0x0];
	s2 =	stileid.u32  }
0x4b: {  	s1 =	rddreg [dreg:$0x1];
	p0 =	sne.s32 s2, $0x0  }
0x4c: {  	s3 =	rddreg [dreg:$0x2];
	[bflag:$0x3] =	sbarrier.arrive $0xFFFF;
	s2 =	simm.s32 @!p0 $0x1C02  }
0x4d: {  	[timem:s3], [sflag:s2] =	dma.local @!p0 [hbm:s0], s1  }
0x4e: {  	s0 =	simm.s32 @!p0 $0x2  }
0x4f: {  	_ =	swait.ge @!p0 [sflag:s0], s1  }
0x50: {  	s1 =	ssub.s32 @!p0 $0x0, s1;
	[sflag:s0] =	ssyncset.done @!p0 $0x0  }
0x51: {  	[sflag:s0] =	ssyncadd.s32 @!p0 s1  }
0x52: {  	[bflag:$0x3] =	sbarrier.arrive $0xFFFF  }
0x53: {  	_ =	shalt  }

</sc_bundles>
